<compile_context>
chip_gen: v7x
topology: tpu7x:2x2x1
jax: 0.10.2.dev20260603
libtpu: 0.0.44.dev20260713+nightly
codegen_flags: <defaults>
</compile_context>

<pallas_src>
import jax
import jax.numpy as jnp
from jax import lax
from jax.experimental import pallas as pl
from jax.experimental.pallas import tpu as pltpu
from jax.experimental.pallas import tpu_sc as plsc

_B = 16384
_K = 32
_NC = 2
_NS = 16
_NW = _NC * _NS
_BPW = _B // _NW
_L = 16


def _sc_body(su, si, rp, bU, bI, gU, gI, out,
             idxU, idxI, guv, giv, buv, biv, rv, accv,
             sem0, sem1, sem2, sem3):
    wid = lax.axis_index("s") * _NC + lax.axis_index("c")
    base = wid * _BPW

    pltpu.sync_copy(su.at[pl.ds(base, _BPW)], idxU)
    pltpu.sync_copy(si.at[pl.ds(base, _BPW)], idxI)
    cp0 = pltpu.async_copy(gU.at[idxU], guv, sem0)
    cp1 = pltpu.async_copy(gI.at[idxI], giv, sem1)
    cp2 = pltpu.async_copy(bU.at[idxU], buv, sem2)
    cp3 = pltpu.async_copy(bI.at[idxI], biv, sem3)
    pltpu.sync_copy(rp.at[pl.ds(base, _BPW)], rv)
    cp0.wait()
    cp1.wait()
    cp2.wait()
    cp3.wait()

    lanes = lax.iota(jnp.int32, _L)

    def t_body(t, acc):
        rows = t * _L + lanes
        dot = jnp.zeros((_L,), jnp.float32)
        for k in range(_K):
            kk = jnp.full((_L,), k, jnp.int32)
            dot = dot + (plsc.load_gather(guv, [rows, kk])
                         * plsc.load_gather(giv, [rows, kk]))
        bu16 = buv[pl.ds(t * _L, _L)]
        bi16 = biv[pl.ds(t * _L, _L)]
        r16 = rv[pl.ds(t * _L, _L)]
        diff = bu16 + bi16 + dot - r16
        return acc + diff * diff

    acc = lax.fori_loop(0, _BPW // _L, t_body, jnp.zeros((_L,), jnp.float32))
    accv[...] = acc
    pltpu.sync_copy(accv, out.at[wid])


@jax.jit
def _sc_loss_partials(su, si, rp, bU, bI, gU, gI):
    kern = pl.kernel(
        _sc_body,
        out_type=jax.ShapeDtypeStruct((_NW, _L), jnp.float32),
        mesh=plsc.VectorSubcoreMesh(core_axis_name="c", subcore_axis_name="s"),
        compiler_params=pltpu.CompilerParams(
            needs_layout_passes=False, use_tc_tiling_on_sc=False),
        scratch_types=[
            pltpu.VMEM((_BPW,), jnp.int32),
            pltpu.VMEM((_BPW,), jnp.int32),
            pltpu.VMEM((_BPW, _K), jnp.float32),
            pltpu.VMEM((_BPW, _K), jnp.float32),
            pltpu.VMEM((_BPW,), jnp.float32),
            pltpu.VMEM((_BPW,), jnp.float32),
            pltpu.VMEM((_BPW,), jnp.float32),
            pltpu.VMEM((_L,), jnp.float32),
            pltpu.SemaphoreType.DMA,
            pltpu.SemaphoreType.DMA,
            pltpu.SemaphoreType.DMA,
            pltpu.SemaphoreType.DMA,
        ],
    )
    return kern(su, si, rp, bU, bI, gU, gI)


def kernel(sampleU, sampleI, sampleR, alpha, betaU, betaI, gammaU, gammaI):
    rp = sampleR - alpha
    partials = _sc_loss_partials(
        sampleU.astype(jnp.int32), sampleI.astype(jnp.int32), rp,
        betaU, betaI, gammaU, gammaI)
    return 0.5 * jnp.sum(partials) / sampleR.shape[0]

# --- scband reference (transcript-rebuilt; emitter-appended) ---
"""Pipeline reference for scband-latent-factor-model-46840913330438 (READ-ONLY COPY).

The authoritative reference and input builder live on the scoring server;
editing this copy changes nothing except your own understanding.
"""

import jax, jax.numpy as jnp
import numpy as np

NUM_USERS = 1000000
NUM_ITEMS = 100000
K = 32
BATCH = 16384

def setup_inputs(seed: int = 0) -> dict:
    key = jax.random.key(seed)
    k1, k2, k3, k4, k5, k6, k7 = jax.random.split(key, 7)
    sampleU = jax.random.randint(k1, (BATCH,), 0, NUM_USERS, dtype=jnp.int64 if jax.config.read('jax_enable_x64') else jnp.int32)
    sampleI = jax.random.randint(k2, (BATCH,), 0, NUM_ITEMS, dtype=jnp.int64 if jax.config.read('jax_enable_x64') else jnp.int32)
    sampleR = jax.random.uniform(k3, (BATCH,), dtype=jnp.float32)
    alpha = jnp.asarray(0.0, dtype=jnp.float32)
    betaU = jax.random.normal(k4, (NUM_USERS,), dtype=jnp.float32) * 0.001
    betaI = jax.random.normal(k5, (NUM_ITEMS,), dtype=jnp.float32) * 0.001
    gammaU = jax.random.normal(k6, (NUM_USERS, K), dtype=jnp.float32) * 0.001
    gammaI = jax.random.normal(k7, (NUM_ITEMS, K), dtype=jnp.float32) * 0.001
    return {"sampleU": sampleU, "sampleI": sampleI, "sampleR": sampleR,
            "alpha": alpha, "betaU": betaU, "betaI": betaI,
            "gammaU": gammaU, "gammaI": gammaI}

def reference(sampleU, sampleI, sampleR, alpha, betaU, betaI, gammaU, gammaI):
    # predictSample: embedding lookups + dot of latent factors
    beta_u = jnp.take(betaU, sampleU, axis=0)
    beta_i = jnp.take(betaI, sampleI, axis=0)
    gamma_u = jnp.take(gammaU, sampleU, axis=0)
    gamma_i = jnp.take(gammaI, sampleI, axis=0)
    pred = alpha + beta_u + beta_i + jnp.sum(gamma_u * gamma_i, axis=1)
    # call(): tf.nn.l2_loss(pred - r) / len(sampleR); l2_loss = 0.5 * sum(x^2)
    diff = pred - sampleR
    loss = 0.5 * jnp.sum(diff * diff) / sampleR.shape[0]
    return loss

if __name__ == "__main__":
    import jax
    _d = setup_inputs()
    print(jax.jit(kernel)(*tuple(_d.values())))

</pallas_src>

<mosaic_0001>
#map = affine_map<(d0, d1) -> (0)>
#map1 = affine_map<(d0, d1) -> (0, 0)>
module attributes {stable_mosaic.version = 14 : i64} {
  func.func @_sc_body(%arg0: i32, %arg1: i32, %arg2: memref<16384xi32, #tpu.memory_space<hbm>>, %arg3: memref<16384xi32, #tpu.memory_space<hbm>>, %arg4: memref<16384xf32, #tpu.memory_space<hbm>>, %arg5: memref<1000000xf32, #tpu.memory_space<hbm>>, %arg6: memref<100000xf32, #tpu.memory_space<hbm>>, %arg7: memref<1000000x32xf32, #tpu.memory_space<hbm>>, %arg8: memref<100000x32xf32, #tpu.memory_space<hbm>>, %arg9: memref<32x16xf32, #tpu.memory_space<hbm>>, %arg10: memref<512xi32, #tpu.memory_space<vmem>>, %arg11: memref<512xi32, #tpu.memory_space<vmem>>, %arg12: memref<512x32xf32, #tpu.memory_space<vmem>>, %arg13: memref<512x32xf32, #tpu.memory_space<vmem>>, %arg14: memref<512xf32, #tpu.memory_space<vmem>>, %arg15: memref<512xf32, #tpu.memory_space<vmem>>, %arg16: memref<512xf32, #tpu.memory_space<vmem>>, %arg17: memref<16xf32, #tpu.memory_space<vmem>>, %arg18: memref<!tpu.dma_semaphore, #tpu.memory_space<semaphore_mem>>, %arg19: memref<!tpu.dma_semaphore, #tpu.memory_space<semaphore_mem>>, %arg20: memref<!tpu.dma_semaphore, #tpu.memory_space<semaphore_mem>>, %arg21: memref<!tpu.dma_semaphore, #tpu.memory_space<semaphore_mem>>) attributes {dimension_semantics = [#tpu.dimension_semantics<core_parallel>, #tpu.dimension_semantics<subcore_parallel>], iteration_bounds = array<i64: 2, 16>, scalar_prefetch = 0 : i64, scratch_operands = 12 : i64, tpu.core_type = #tpu.core_type<sc_vector_subcore>, window_params = [{transform_indices = #map}, {transform_indices = #map}, {transform_indices = #map}, {transform_indices = #map}, {transform_indices = #map}, {transform_indices = #map1}, {transform_indices = #map1}, {transform_indices = #map1}]} {
    %mul3A = arith.constant 2 : i32
    %mul3A_0 = arith.muli %arg1, %mul3A : i32
    %add3A = arith.addi %mul3A_0, %arg0 : i32
    %mul3A_1 = arith.constant 512 : i32
    %mul3A_2 = arith.muli %add3A, %mul3A_1 : i32
    "tpu.region"() ({
      %run_scoped3A = tpu.sem_alloc : memref<!tpu.dma_semaphore, #tpu.memory_space<semaphore_mem>>
      %dma_start3A_28 = tpu.memref_slice %arg2[%mul3A_2] : memref<16384xi32, #tpu.memory_space<hbm>> -> memref<512xi32, #tpu.memory_space<hbm>>
      %dma_start3A_29 = tpu.memref_slice %arg2[%mul3A_2] : memref<16384xi32, #tpu.memory_space<hbm>> -> memref<512xi32, #tpu.memory_space<hbm>>
      tpu.enqueue_dma source(%dma_start3A_29 : memref<512xi32, #tpu.memory_space<hbm>>) target(%arg10 : memref<512xi32, #tpu.memory_space<vmem>>) target_semaphore(%run_scoped3A : memref<!tpu.dma_semaphore, #tpu.memory_space<semaphore_mem>>)
      %dma_wait3A_30 = tpu.memref_slice %arg2[%mul3A_2] : memref<16384xi32, #tpu.memory_space<hbm>> -> memref<512xi32, #tpu.memory_space<hbm>>
      %dma_wait3A_31 = tpu.memref_slice %arg2[%mul3A_2] : memref<16384xi32, #tpu.memory_space<hbm>> -> memref<512xi32, #tpu.memory_space<hbm>>
      tpu.wait_dma2 semaphore(%run_scoped3A : memref<!tpu.dma_semaphore, #tpu.memory_space<semaphore_mem>>) src(%dma_wait3A_31 : memref<512xi32, #tpu.memory_space<hbm>>) dst(%arg10 : memref<512xi32, #tpu.memory_space<vmem>>)
      tpu.yield
    }) : () -> ()
    "tpu.region"() ({
      %run_scoped3A = tpu.sem_alloc : memref<!tpu.dma_semaphore, #tpu.memory_space<semaphore_mem>>
      %dma_start3A_28 = tpu.memref_slice %arg3[%mul3A_2] : memref<16384xi32, #tpu.memory_space<hbm>> -> memref<512xi32, #tpu.memory_space<hbm>>
      %dma_start3A_29 = tpu.memref_slice %arg3[%mul3A_2] : memref<16384xi32, #tpu.memory_space<hbm>> -> memref<512xi32, #tpu.memory_space<hbm>>
      tpu.enqueue_dma source(%dma_start3A_29 : memref<512xi32, #tpu.memory_space<hbm>>) target(%arg11 : memref<512xi32, #tpu.memory_space<vmem>>) target_semaphore(%run_scoped3A : memref<!tpu.dma_semaphore, #tpu.memory_space<semaphore_mem>>)
      %dma_wait3A_30 = tpu.memref_slice %arg3[%mul3A_2] : memref<16384xi32, #tpu.memory_space<hbm>> -> memref<512xi32, #tpu.memory_space<hbm>>
      %dma_wait3A_31 = tpu.memref_slice %arg3[%mul3A_2] : memref<16384xi32, #tpu.memory_space<hbm>> -> memref<512xi32, #tpu.memory_space<hbm>>
      tpu.wait_dma2 semaphore(%run_scoped3A : memref<!tpu.dma_semaphore, #tpu.memory_space<semaphore_mem>>) src(%dma_wait3A_31 : memref<512xi32, #tpu.memory_space<hbm>>) dst(%arg11 : memref<512xi32, #tpu.memory_space<vmem>>)
      tpu.yield
    }) : () -> ()
    %dma_start3A = arith.constant 0 : i32
    %dma_start3A_3 = arith.constant 0 : i32
    %dma_start3A_4 = tpu.memref_slice %arg7[%dma_start3A, %dma_start3A_3] : memref<1000000x32xf32, #tpu.memory_space<hbm>> -> memref<1000000x32xf32, #tpu.memory_space<hbm>>
    tpu.enqueue_indirect_dma source(%dma_start3A_4 : memref<1000000x32xf32, #tpu.memory_space<hbm>>) target(%arg12 : memref<512x32xf32, #tpu.memory_space<vmem>>) offsets(%arg10 : memref<512xi32, #tpu.memory_space<vmem>>) semaphore(%arg18 : memref<!tpu.dma_semaphore, #tpu.memory_space<semaphore_mem>>)
    %dma_start3A_5 = arith.constant 0 : i32
    %dma_start3A_6 = arith.constant 0 : i32
    %dma_start3A_7 = tpu.memref_slice %arg8[%dma_start3A_5, %dma_start3A_6] : memref<100000x32xf32, #tpu.memory_space<hbm>> -> memref<100000x32xf32, #tpu.memory_space<hbm>>
    tpu.enqueue_indirect_dma source(%dma_start3A_7 : memref<100000x32xf32, #tpu.memory_space<hbm>>) target(%arg13 : memref<512x32xf32, #tpu.memory_space<vmem>>) offsets(%arg11 : memref<512xi32, #tpu.memory_space<vmem>>) semaphore(%arg19 : memref<!tpu.dma_semaphore, #tpu.memory_space<semaphore_mem>>)
    %dma_start3A_8 = arith.constant 0 : i32
    %dma_start3A_9 = tpu.memref_slice %arg5[%dma_start3A_8] : memref<1000000xf32, #tpu.memory_space<hbm>> -> memref<1000000xf32, #tpu.memory_space<hbm>>
    tpu.enqueue_indirect_dma source(%dma_start3A_9 : memref<1000000xf32, #tpu.memory_space<hbm>>) target(%arg14 : memref<512xf32, #tpu.memory_space<vmem>>) offsets(%arg10 : memref<512xi32, #tpu.memory_space<vmem>>) semaphore(%arg20 : memref<!tpu.dma_semaphore, #tpu.memory_space<semaphore_mem>>)
    %dma_start3A_10 = arith.constant 0 : i32
    %dma_start3A_11 = tpu.memref_slice %arg6[%dma_start3A_10] : memref<100000xf32, #tpu.memory_space<hbm>> -> memref<100000xf32, #tpu.memory_space<hbm>>
    tpu.enqueue_indirect_dma source(%dma_start3A_11 : memref<100000xf32, #tpu.memory_space<hbm>>) target(%arg15 : memref<512xf32, #tpu.memory_space<vmem>>) offsets(%arg11 : memref<512xi32, #tpu.memory_space<vmem>>) semaphore(%arg21 : memref<!tpu.dma_semaphore, #tpu.memory_space<semaphore_mem>>)
    "tpu.region"() ({
      %run_scoped3A = tpu.sem_alloc : memref<!tpu.dma_semaphore, #tpu.memory_space<semaphore_mem>>
      %dma_start3A_28 = tpu.memref_slice %arg4[%mul3A_2] : memref<16384xf32, #tpu.memory_space<hbm>> -> memref<512xf32, #tpu.memory_space<hbm>>
      %dma_start3A_29 = tpu.memref_slice %arg4[%mul3A_2] : memref<16384xf32, #tpu.memory_space<hbm>> -> memref<512xf32, #tpu.memory_space<hbm>>
      tpu.enqueue_dma source(%dma_start3A_29 : memref<512xf32, #tpu.memory_space<hbm>>) target(%arg16 : memref<512xf32, #tpu.memory_space<vmem>>) target_semaphore(%run_scoped3A : memref<!tpu.dma_semaphore, #tpu.memory_space<semaphore_mem>>)
      %dma_wait3A_30 = tpu.memref_slice %arg4[%mul3A_2] : memref<16384xf32, #tpu.memory_space<hbm>> -> memref<512xf32, #tpu.memory_space<hbm>>
      %dma_wait3A_31 = tpu.memref_slice %arg4[%mul3A_2] : memref<16384xf32, #tpu.memory_space<hbm>> -> memref<512xf32, #tpu.memory_space<hbm>>
      tpu.wait_dma2 semaphore(%run_scoped3A : memref<!tpu.dma_semaphore, #tpu.memory_space<semaphore_mem>>) src(%dma_wait3A_31 : memref<512xf32, #tpu.memory_space<hbm>>) dst(%arg16 : memref<512xf32, #tpu.memory_space<vmem>>)
      tpu.yield
    }) : () -> ()
    %dma_wait3A = arith.constant 0 : i32
    %dma_wait3A_12 = arith.constant 0 : i32
    %dma_wait3A_13 = tpu.memref_slice %arg7[%dma_wait3A, %dma_wait3A_12] : memref<1000000x32xf32, #tpu.memory_space<hbm>> -> memref<1000000x32xf32, #tpu.memory_space<hbm>>
    tpu.wait_indirect_dma semaphore(%arg18 : memref<!tpu.dma_semaphore, #tpu.memory_space<semaphore_mem>>) src(%dma_wait3A_13 : memref<1000000x32xf32, #tpu.memory_space<hbm>>) dst(%arg12 : memref<512x32xf32, #tpu.memory_space<vmem>>)
    %dma_wait3A_14 = arith.constant 0 : i32
    %dma_wait3A_15 = arith.constant 0 : i32
    %dma_wait3A_16 = tpu.memref_slice %arg8[%dma_wait3A_14, %dma_wait3A_15] : memref<100000x32xf32, #tpu.memory_space<hbm>> -> memref<100000x32xf32, #tpu.memory_space<hbm>>
    tpu.wait_indirect_dma semaphore(%arg19 : memref<!tpu.dma_semaphore, #tpu.memory_space<semaphore_mem>>) src(%dma_wait3A_16 : memref<100000x32xf32, #tpu.memory_space<hbm>>) dst(%arg13 : memref<512x32xf32, #tpu.memory_space<vmem>>)
    %dma_wait3A_17 = arith.constant 0 : i32
    %dma_wait3A_18 = tpu.memref_slice %arg5[%dma_wait3A_17] : memref<1000000xf32, #tpu.memory_space<hbm>> -> memref<1000000xf32, #tpu.memory_space<hbm>>
    tpu.wait_indirect_dma semaphore(%arg20 : memref<!tpu.dma_semaphore, #tpu.memory_space<semaphore_mem>>) src(%dma_wait3A_18 : memref<1000000xf32, #tpu.memory_space<hbm>>) dst(%arg14 : memref<512xf32, #tpu.memory_space<vmem>>)
    %dma_wait3A_19 = arith.constant 0 : i32
    %dma_wait3A_20 = tpu.memref_slice %arg6[%dma_wait3A_19] : memref<100000xf32, #tpu.memory_space<hbm>> -> memref<100000xf32, #tpu.memory_space<hbm>>
    tpu.wait_indirect_dma semaphore(%arg21 : memref<!tpu.dma_semaphore, #tpu.memory_space<semaphore_mem>>) src(%dma_wait3A_20 : memref<100000xf32, #tpu.memory_space<hbm>>) dst(%arg15 : memref<512xf32, #tpu.memory_space<vmem>>)
    %iota3A = tpu.iota {dimensions = array<i32: 0>} : vector<16xi32>
    %broadcast_in_dim3A = arith.constant 0.000000e+00 : f32
    %broadcast_in_dim3A_21 = vector.broadcast %broadcast_in_dim3A : f32 to vector<16xf32>
    %scan3A = arith.constant 0 : i32
    %scan3A_22 = arith.constant 32 : i32
    %scan3A_23 = arith.addi %scan3A, %scan3A_22 : i32
    %scan3A_24 = arith.constant 1 : i32
    %scan3A_25 = scf.for %scan3A_28 = %scan3A to %scan3A_23 step %scan3A_24 iter_args(%scan3A_29 = %broadcast_in_dim3A_21) -> (vector<16xf32>)  : i32 {
      %mul3A_30 = arith.constant 16 : i32
      %mul3A_31 = arith.muli %scan3A_28, %mul3A_30 : i32
      %add3A_32 = vector.broadcast %mul3A_31 : i32 to vector<16xi32>
      %add3A_33 = arith.addi %add3A_32, %iota3A : vector<16xi32>
      %broadcast_in_dim3A_34 = arith.constant 0.000000e+00 : f32
      %broadcast_in_dim3A_35 = vector.broadcast %broadcast_in_dim3A_34 : f32 to vector<16xf32>
      %broadcast_in_dim3A_36 = arith.constant 0 : i32
      %broadcast_in_dim3A_37 = vector.broadcast %broadcast_in_dim3A_36 : i32 to vector<16xi32>
      %gather3A = tpu.vector_load_idx %arg12[%add3A_33, %broadcast_in_dim3A_37] : memref<512x32xf32, #tpu.memory_space<vmem>>[vector<16xi32>, vector<16xi32>], vector<16xf32>,
      %gather3A_38 = tpu.vector_load_idx %arg13[%add3A_33, %broadcast_in_dim3A_37] : memref<512x32xf32, #tpu.memory_space<vmem>>[vector<16xi32>, vector<16xi32>], vector<16xf32>,
      %mul3A_39 = arith.mulf %gather3A, %gather3A_38 : vector<16xf32>
      %add3A_40 = arith.addf %broadcast_in_dim3A_35, %mul3A_39 : vector<16xf32>
      %broadcast_in_dim3A_41 = arith.constant 1 : i32
      %broadcast_in_dim3A_42 = vector.broadcast %broadcast_in_dim3A_41 : i32 to vector<16xi32>
      %gather3A_43 = tpu.vector_load_idx %arg12[%add3A_33, %broadcast_in_dim3A_42] : memref<512x32xf32, #tpu.memory_space<vmem>>[vector<16xi32>, vector<16xi32>], vector<16xf32>,
      %gather3A_44 = tpu.vector_load_idx %arg13[%add3A_33, %broadcast_in_dim3A_42] : memref<512x32xf32, #tpu.memory_space<vmem>>[vector<16xi32>, vector<16xi32>], vector<16xf32>,
      %mul3A_45 = arith.mulf %gather3A_43, %gather3A_44 : vector<16xf32>
      %add3A_46 = arith.addf %add3A_40, %mul3A_45 : vector<16xf32>
      %broadcast_in_dim3A_47 = arith.constant 2 : i32
      %broadcast_in_dim3A_48 = vector.broadcast %broadcast_in_dim3A_47 : i32 to vector<16xi32>
      %gather3A_49 = tpu.vector_load_idx %arg12[%add3A_33, %broadcast_in_dim3A_48] : memref<512x32xf32, #tpu.memory_space<vmem>>[vector<16xi32>, vector<16xi32>], vector<16xf32>,
      %gather3A_50 = tpu.vector_load_idx %arg13[%add3A_33, %broadcast_in_dim3A_48] : memref<512x32xf32, #tpu.memory_space<vmem>>[vector<16xi32>, vector<16xi32>], vector<16xf32>,
      %mul3A_51 = arith.mulf %gather3A_49, %gather3A_50 : vector<16xf32>
      %add3A_52 = arith.addf %add3A_46, %mul3A_51 : vector<16xf32>
      %broadcast_in_dim3A_53 = arith.constant 3 : i32
      %broadcast_in_dim3A_54 = vector.broadcast %broadcast_in_dim3A_53 : i32 to vector<16xi32>
      %gather3A_55 = tpu.vector_load_idx %arg12[%add3A_33, %broadcast_in_dim3A_54] : memref<512x32xf32, #tpu.memory_space<vmem>>[vector<16xi32>, vector<16xi32>], vector<16xf32>,
      %gather3A_56 = tpu.vector_load_idx %arg13[%add3A_33, %broadcast_in_dim3A_54] : memref<512x32xf32, #tpu.memory_space<vmem>>[vector<16xi32>, vector<16xi32>], vector<16xf32>,
      %mul3A_57 = arith.mulf %gather3A_55, %gather3A_56 : vector<16xf32>
      %add3A_58 = arith.addf %add3A_52, %mul3A_57 : vector<16xf32>
      %broadcast_in_dim3A_59 = arith.constant 4 : i32
      %broadcast_in_dim3A_60 = vector.broadcast %broadcast_in_dim3A_59 : i32 to vector<16xi32>
      %gather3A_61 = tpu.vector_load_idx %arg12[%add3A_33, %broadcast_in_dim3A_60] : memref<512x32xf32, #tpu.memory_space<vmem>>[vector<16xi32>, vector<16xi32>], vector<16xf32>,
      %gather3A_62 = tpu.vector_load_idx %arg13[%add3A_33, %broadcast_in_dim3A_60] : memref<512x32xf32, #tpu.memory_space<vmem>>[vector<16xi32>, vector<16xi32>], vector<16xf32>,
      %mul3A_63 = arith.mulf %gather3A_61, %gather3A_62 : vector<16xf32>
      %add3A_64 = arith.addf %add3A_58, %mul3A_63 : vector<16xf32>
      %broadcast_in_dim3A_65 = arith.constant 5 : i32
      %broadcast_in_dim3A_66 = vector.broadcast %broadcast_in_dim3A_65 : i32 to vector<16xi32>
      %gather3A_67 = tpu.vector_load_idx %arg12[%add3A_33, %broadcast_in_dim3A_66] : memref<512x32xf32, #tpu.memory_space<vmem>>[vector<16xi32>, vector<16xi32>], vector<16xf32>,
      %gather3A_68 = tpu.vector_load_idx %arg13[%add3A_33, %broadcast_in_dim3A_66] : memref<512x32xf32, #tpu.memory_space<vmem>>[vector<16xi32>, vector<16xi32>], vector<16xf32>,
      %mul3A_69 = arith.mulf %gather3A_67, %gather3A_68 : vector<16xf32>
      %add3A_70 = arith.addf %add3A_64, %mul3A_69 : vector<16xf32>
      %broadcast_in_dim3A_71 = arith.constant 6 : i32
      %broadcast_in_dim3A_72 = vector.broadcast %broadcast_in_dim3A_71 : i32 to vector<16xi32>
      %gather3A_73 = tpu.vector_load_idx %arg12[%add3A_33, %broadcast_in_dim3A_72] : memref<512x32xf32, #tpu.memory_space<vmem>>[vector<16xi32>, vector<16xi32>], vector<16xf32>,
      %gather3A_74 = tpu.vector_load_idx %arg13[%add3A_33, %broadcast_in_dim3A_72] : memref<512x32xf32, #tpu.memory_space<vmem>>[vector<16xi32>, vector<16xi32>], vector<16xf32>,
      %mul3A_75 = arith.mulf %gather3A_73, %gather3A_74 : vector<16xf32>
      %add3A_76 = arith.addf %add3A_70, %mul3A_75 : vector<16xf32>
      %broadcast_in_dim3A_77 = arith.constant 7 : i32
      %broadcast_in_dim3A_78 = vector.broadcast %broadcast_in_dim3A_77 : i32 to vector<16xi32>
      %gather3A_79 = tpu.vector_load_idx %arg12[%add3A_33, %broadcast_in_dim3A_78] : memref<512x32xf32, #tpu.memory_space<vmem>>[vector<16xi32>, vector<16xi32>], vector<16xf32>,
      %gather3A_80 = tpu.vector_load_idx %arg13[%add3A_33, %broadcast_in_dim3A_78] : memref<512x32xf32, #tpu.memory_space<vmem>>[vector<16xi32>, vector<16xi32>], vector<16xf32>,
      %mul3A_81 = arith.mulf %gather3A_79, %gather3A_80 : vector<16xf32>
      %add3A_82 = arith.addf %add3A_76, %mul3A_81 : vector<16xf32>
      %broadcast_in_dim3A_83 = arith.constant 8 : i32
      %broadcast_in_dim3A_84 = vector.broadcast %broadcast_in_dim3A_83 : i32 to vector<16xi32>
      %gather3A_85 = tpu.vector_load_idx %arg12[%add3A_33, %broadcast_in_dim3A_84] : memref<512x32xf32, #tpu.memory_space<vmem>>[vector<16xi32>, vector<16xi32>], vector<16xf32>,
      %gather3A_86 = tpu.vector_load_idx %arg13[%add3A_33, %broadcast_in_dim3A_84] : memref<512x32xf32, #tpu.memory_space<vmem>>[vector<16xi32>, vector<16xi32>], vector<16xf32>,
      %mul3A_87 = arith.mulf %gather3A_85, %gather3A_86 : vector<16xf32>
      %add3A_88 = arith.addf %add3A_82, %mul3A_87 : vector<16xf32>
      %broadcast_in_dim3A_89 = arith.constant 9 : i32
      %broadcast_in_dim3A_90 = vector.broadcast %broadcast_in_dim3A_89 : i32 to vector<16xi32>
      %gather3A_91 = tpu.vector_load_idx %arg12[%add3A_33, %broadcast_in_dim3A_90] : memref<512x32xf32, #tpu.memory_space<vmem>>[vector<16xi32>, vector<16xi32>], vector<16xf32>,
      %gather3A_92 = tpu.vector_load_idx %arg13[%add3A_33, %broadcast_in_dim3A_90] : memref<512x32xf32, #tpu.memory_space<vmem>>[vector<16xi32>, vector<16xi32>], vector<16xf32>,
      %mul3A_93 = arith.mulf %gather3A_91, %gather3A_92 : vector<16xf32>
      %add3A_94 = arith.addf %add3A_88, %mul3A_93 : vector<16xf32>
      %broadcast_in_dim3A_95 = arith.constant 10 : i32
      %broadcast_in_dim3A_96 = vector.broadcast %broadcast_in_dim3A_95 : i32 to vector<16xi32>
      %gather3A_97 = tpu.vector_load_idx %arg12[%add3A_33, %broadcast_in_dim3A_96] : memref<512x32xf32, #tpu.memory_space<vmem>>[vector<16xi32>, vector<16xi32>], vector<16xf32>,
      %gather3A_98 = tpu.vector_load_idx %arg13[%add3A_33, %broadcast_in_dim3A_96] : memref<512x32xf32, #tpu.memory_space<vmem>>[vector<16xi32>, vector<16xi32>], vector<16xf32>,
      %mul3A_99 = arith.mulf %gather3A_97, %gather3A_98 : vector<16xf32>
      %add3A_100 = arith.addf %add3A_94, %mul3A_99 : vector<16xf32>
      %broadcast_in_dim3A_101 = arith.constant 11 : i32
      %broadcast_in_dim3A_102 = vector.broadcast %broadcast_in_dim3A_101 : i32 to vector<16xi32>
      %gather3A_103 = tpu.vector_load_idx %arg12[%add3A_33, %broadcast_in_dim3A_102] : memref<512x32xf32, #tpu.memory_space<vmem>>[vector<16xi32>, vector<16xi32>], vector<16xf32>,
      %gather3A_104 = tpu.vector_load_idx %arg13[%add3A_33, %broadcast_in_dim3A_102] : memref<512x32xf32, #tpu.memory_space<vmem>>[vector<16xi32>, vector<16xi32>], vector<16xf32>,
      %mul3A_105 = arith.mulf %gather3A_103, %gather3A_104 : vector<16xf32>
      %add3A_106 = arith.addf %add3A_100, %mul3A_105 : vector<16xf32>
      %broadcast_in_dim3A_107 = arith.constant 12 : i32
      %broadcast_in_dim3A_108 = vector.broadcast %broadcast_in_dim3A_107 : i32 to vector<16xi32>
      %gather3A_109 = tpu.vector_load_idx %arg12[%add3A_33, %broadcast_in_dim3A_108] : memref<512x32xf32, #tpu.memory_space<vmem>>[vector<16xi32>, vector<16xi32>], vector<16xf32>,
      %gather3A_110 = tpu.vector_load_idx %arg13[%add3A_33, %broadcast_in_dim3A_108] : memref<512x32xf32, #tpu.memory_space<vmem>>[vector<16xi32>, vector<16xi32>], vector<16xf32>,
      %mul3A_111 = arith.mulf %gather3A_109, %gather3A_110 : vector<16xf32>
      %add3A_112 = arith.addf %add3A_106, %mul3A_111 : vector<16xf32>
      %broadcast_in_dim3A_113 = arith.constant 13 : i32
      %broadcast_in_dim3A_114 = vector.broadcast %broadcast_in_dim3A_113 : i32 to vector<16xi32>
      %gather3A_115 = tpu.vector_load_idx %arg12[%add3A_33, %broadcast_in_dim3A_114] : memref<512x32xf32, #tpu.memory_space<vmem>>[vector<16xi32>, vector<16xi32>], vector<16xf32>,
      %gather3A_116 = tpu.vector_load_idx %arg13[%add3A_33, %broadcast_in_dim3A_114] : memref<512x32xf32, #tpu.memory_space<vmem>>[vector<16xi32>, vector<16xi32>], vector<16xf32>,
      %mul3A_117 = arith.mulf %gather3A_115, %gather3A_116 : vector<16xf32>
      %add3A_118 = arith.addf %add3A_112, %mul3A_117 : vector<16xf32>
      %broadcast_in_dim3A_119 = arith.constant 14 : i32
      %broadcast_in_dim3A_120 = vector.broadcast %broadcast_in_dim3A_119 : i32 to vector<16xi32>
      %gather3A_121 = tpu.vector_load_idx %arg12[%add3A_33, %broadcast_in_dim3A_120] : memref<512x32xf32, #tpu.memory_space<vmem>>[vector<16xi32>, vector<16xi32>], vector<16xf32>,
      %gather3A_122 = tpu.vector_load_idx %arg13[%add3A_33, %broadcast_in_dim3A_120] : memref<512x32xf32, #tpu.memory_space<vmem>>[vector<16xi32>, vector<16xi32>], vector<16xf32>,
      %mul3A_123 = arith.mulf %gather3A_121, %gather3A_122 : vector<16xf32>
      %add3A_124 = arith.addf %add3A_118, %mul3A_123 : vector<16xf32>
      %broadcast_in_dim3A_125 = arith.constant 15 : i32
      %broadcast_in_dim3A_126 = vector.broadcast %broadcast_in_dim3A_125 : i32 to vector<16xi32>
      %gather3A_127 = tpu.vector_load_idx %arg12[%add3A_33, %broadcast_in_dim3A_126] : memref<512x32xf32, #tpu.memory_space<vmem>>[vector<16xi32>, vector<16xi32>], vector<16xf32>,
      %gather3A_128 = tpu.vector_load_idx %arg13[%add3A_33, %broadcast_in_dim3A_126] : memref<512x32xf32, #tpu.memory_space<vmem>>[vector<16xi32>, vector<16xi32>], vector<16xf32>,
      %mul3A_129 = arith.mulf %gather3A_127, %gather3A_128 : vector<16xf32>
      %add3A_130 = arith.addf %add3A_124, %mul3A_129 : vector<16xf32>
      %broadcast_in_dim3A_131 = arith.constant 16 : i32
      %broadcast_in_dim3A_132 = vector.broadcast %broadcast_in_dim3A_131 : i32 to vector<16xi32>
      %gather3A_133 = tpu.vector_load_idx %arg12[%add3A_33, %broadcast_in_dim3A_132] : memref<512x32xf32, #tpu.memory_space<vmem>>[vector<16xi32>, vector<16xi32>], vector<16xf32>,
      %gather3A_134 = tpu.vector_load_idx %arg13[%add3A_33, %broadcast_in_dim3A_132] : memref<512x32xf32, #tpu.memory_space<vmem>>[vector<16xi32>, vector<16xi32>], vector<16xf32>,
      %mul3A_135 = arith.mulf %gather3A_133, %gather3A_134 : vector<16xf32>
      %add3A_136 = arith.addf %add3A_130, %mul3A_135 : vector<16xf32>
      %broadcast_in_dim3A_137 = arith.constant 17 : i32
      %broadcast_in_dim3A_138 = vector.broadcast %broadcast_in_dim3A_137 : i32 to vector<16xi32>
      %gather3A_139 = tpu.vector_load_idx %arg12[%add3A_33, %broadcast_in_dim3A_138] : memref<512x32xf32, #tpu.memory_space<vmem>>[vector<16xi32>, vector<16xi32>], vector<16xf32>,
      %gather3A_140 = tpu.vector_load_idx %arg13[%add3A_33, %broadcast_in_dim3A_138] : memref<512x32xf32, #tpu.memory_space<vmem>>[vector<16xi32>, vector<16xi32>], vector<16xf32>,
      %mul3A_141 = arith.mulf %gather3A_139, %gather3A_140 : vector<16xf32>
      %add3A_142 = arith.addf %add3A_136, %mul3A_141 : vector<16xf32>
      %broadcast_in_dim3A_143 = arith.constant 18 : i32
      %broadcast_in_dim3A_144 = vector.broadcast %broadcast_in_dim3A_143 : i32 to vector<16xi32>
      %gather3A_145 = tpu.vector_load_idx %arg12[%add3A_33, %broadcast_in_dim3A_144] : memref<512x32xf32, #tpu.memory_space<vmem>>[vector<16xi32>, vector<16xi32>], vector<16xf32>,
      %gather3A_146 = tpu.vector_load_idx %arg13[%add3A_33, %broadcast_in_dim3A_144] : memref<512x32xf32, #tpu.memory_space<vmem>>[vector<16xi32>, vector<16xi32>], vector<16xf32>,
      %mul3A_147 = arith.mulf %gather3A_145, %gather3A_146 : vector<16xf32>
      %add3A_148 = arith.addf %add3A_142, %mul3A_147 : vector<16xf32>
      %broadcast_in_dim3A_149 = arith.constant 19 : i32
      %broadcast_in_dim3A_150 = vector.broadcast %broadcast_in_dim3A_149 : i32 to vector<16xi32>
      %gather3A_151 = tpu.vector_load_idx %arg12[%add3A_33, %broadcast_in_dim3A_150] : memref<512x32xf32, #tpu.memory_space<vmem>>[vector<16xi32>, vector<16xi32>], vector<16xf32>,
      %gather3A_152 = tpu.vector_load_idx %arg13[%add3A_33, %broadcast_in_dim3A_150] : memref<512x32xf32, #tpu.memory_space<vmem>>[vector<16xi32>, vector<16xi32>], vector<16xf32>,
      %mul3A_153 = arith.mulf %gather3A_151, %gather3A_152 : vector<16xf32>
      %add3A_154 = arith.addf %add3A_148, %mul3A_153 : vector<16xf32>
      %broadcast_in_dim3A_155 = arith.constant 20 : i32
      %broadcast_in_dim3A_156 = vector.broadcast %broadcast_in_dim3A_155 : i32 to vector<16xi32>
      %gather3A_157 = tpu.vector_load_idx %arg12[%add3A_33, %broadcast_in_dim3A_156] : memref<512x32xf32, #tpu.memory_space<vmem>>[vector<16xi32>, vector<16xi32>], vector<16xf32>,
      %gather3A_158 = tpu.vector_load_idx %arg13[%add3A_33, %broadcast_in_dim3A_156] : memref<512x32xf32, #tpu.memory_space<vmem>>[vector<16xi32>, vector<16xi32>], vector<16xf32>,
      %mul3A_159 = arith.mulf %gather3A_157, %gather3A_158 : vector<16xf32>
      %add3A_160 = arith.addf %add3A_154, %mul3A_159 : vector<16xf32>
      %broadcast_in_dim3A_161 = arith.constant 21 : i32
      %broadcast_in_dim3A_162 = vector.broadcast %broadcast_in_dim3A_161 : i32 to vector<16xi32>
      %gather3A_163 = tpu.vector_load_idx %arg12[%add3A_33, %broadcast_in_dim3A_162] : memref<512x32xf32, #tpu.memory_space<vmem>>[vector<16xi32>, vector<16xi32>], vector<16xf32>,
      %gather3A_164 = tpu.vector_load_idx %arg13[%add3A_33, %broadcast_in_dim3A_162] : memref<512x32xf32, #tpu.memory_space<vmem>>[vector<16xi32>, vector<16xi32>], vector<16xf32>,
      %mul3A_165 = arith.mulf %gather3A_163, %gather3A_164 : vector<16xf32>
      %add3A_166 = arith.addf %add3A_160, %mul3A_165 : vector<16xf32>
      %broadcast_in_dim3A_167 = arith.constant 22 : i32
      %broadcast_in_dim3A_168 = vector.broadcast %broadcast_in_dim3A_167 : i32 to vector<16xi32>
      %gather3A_169 = tpu.vector_load_idx %arg12[%add3A_33, %broadcast_in_dim3A_168] : memref<512x32xf32, #tpu.memory_space<vmem>>[vector<16xi32>, vector<16xi32>], vector<16xf32>,
      %gather3A_170 = tpu.vector_load_idx %arg13[%add3A_33, %broadcast_in_dim3A_168] : memref<512x32xf32, #tpu.memory_space<vmem>>[vector<16xi32>, vector<16xi32>], vector<16xf32>,
      %mul3A_171 = arith.mulf %gather3A_169, %gather3A_170 : vector<16xf32>
      %add3A_172 = arith.addf %add3A_166, %mul3A_171 : vector<16xf32>
      %broadcast_in_dim3A_173 = arith.constant 23 : i32
      %broadcast_in_dim3A_174 = vector.broadcast %broadcast_in_dim3A_173 : i32 to vector<16xi32>
      %gather3A_175 = tpu.vector_load_idx %arg12[%add3A_33, %broadcast_in_dim3A_174] : memref<512x32xf32, #tpu.memory_space<vmem>>[vector<16xi32>, vector<16xi32>], vector<16xf32>,
      %gather3A_176 = tpu.vector_load_idx %arg13[%add3A_33, %broadcast_in_dim3A_174] : memref<512x32xf32, #tpu.memory_space<vmem>>[vector<16xi32>, vector<16xi32>], vector<16xf32>,
      %mul3A_177 = arith.mulf %gather3A_175, %gather3A_176 : vector<16xf32>
      %add3A_178 = arith.addf %add3A_172, %mul3A_177 : vector<16xf32>
      %broadcast_in_dim3A_179 = arith.constant 24 : i32
      %broadcast_in_dim3A_180 = vector.broadcast %broadcast_in_dim3A_179 : i32 to vector<16xi32>
      %gather3A_181 = tpu.vector_load_idx %arg12[%add3A_33, %broadcast_in_dim3A_180] : memref<512x32xf32, #tpu.memory_space<vmem>>[vector<16xi32>, vector<16xi32>], vector<16xf32>,
      %gather3A_182 = tpu.vector_load_idx %arg13[%add3A_33, %broadcast_in_dim3A_180] : memref<512x32xf32, #tpu.memory_space<vmem>>[vector<16xi32>, vector<16xi32>], vector<16xf32>,
      %mul3A_183 = arith.mulf %gather3A_181, %gather3A_182 : vector<16xf32>
      %add3A_184 = arith.addf %add3A_178, %mul3A_183 : vector<16xf32>
      %broadcast_in_dim3A_185 = arith.constant 25 : i32
      %broadcast_in_dim3A_186 = vector.broadcast %broadcast_in_dim3A_185 : i32 to vector<16xi32>
      %gather3A_187 = tpu.vector_load_idx %arg12[%add3A_33, %broadcast_in_dim3A_186] : memref<512x32xf32, #tpu.memory_space<vmem>>[vector<16xi32>, vector<16xi32>], vector<16xf32>,
      %gather3A_188 = tpu.vector_load_idx %arg13[%add3A_33, %broadcast_in_dim3A_186] : memref<512x32xf32, #tpu.memory_space<vmem>>[vector<16xi32>, vector<16xi32>], vector<16xf32>,
      %mul3A_189 = arith.mulf %gather3A_187, %gather3A_188 : vector<16xf32>
      %add3A_190 = arith.addf %add3A_184, %mul3A_189 : vector<16xf32>
      %broadcast_in_dim3A_191 = arith.constant 26 : i32
      %broadcast_in_dim3A_192 = vector.broadcast %broadcast_in_dim3A_191 : i32 to vector<16xi32>
      %gather3A_193 = tpu.vector_load_idx %arg12[%add3A_33, %broadcast_in_dim3A_192] : memref<512x32xf32, #tpu.memory_space<vmem>>[vector<16xi32>, vector<16xi32>], vector<16xf32>,
      %gather3A_194 = tpu.vector_load_idx %arg13[%add3A_33, %broadcast_in_dim3A_192] : memref<512x32xf32, #tpu.memory_space<vmem>>[vector<16xi32>, vector<16xi32>], vector<16xf32>,
      %mul3A_195 = arith.mulf %gather3A_193, %gather3A_194 : vector<16xf32>
      %add3A_196 = arith.addf %add3A_190, %mul3A_195 : vector<16xf32>
      %broadcast_in_dim3A_197 = arith.constant 27 : i32
      %broadcast_in_dim3A_198 = vector.broadcast %broadcast_in_dim3A_197 : i32 to vector<16xi32>
      %gather3A_199 = tpu.vector_load_idx %arg12[%add3A_33, %broadcast_in_dim3A_198] : memref<512x32xf32, #tpu.memory_space<vmem>>[vector<16xi32>, vector<16xi32>], vector<16xf32>,
      %gather3A_200 = tpu.vector_load_idx %arg13[%add3A_33, %broadcast_in_dim3A_198] : memref<512x32xf32, #tpu.memory_space<vmem>>[vector<16xi32>, vector<16xi32>], vector<16xf32>,
      %mul3A_201 = arith.mulf %gather3A_199, %gather3A_200 : vector<16xf32>
      %add3A_202 = arith.addf %add3A_196, %mul3A_201 : vector<16xf32>
      %broadcast_in_dim3A_203 = arith.constant 28 : i32
      %broadcast_in_dim3A_204 = vector.broadcast %broadcast_in_dim3A_203 : i32 to vector<16xi32>
      %gather3A_205 = tpu.vector_load_idx %arg12[%add3A_33, %broadcast_in_dim3A_204] : memref<512x32xf32, #tpu.memory_space<vmem>>[vector<16xi32>, vector<16xi32>], vector<16xf32>,
      %gather3A_206 = tpu.vector_load_idx %arg13[%add3A_33, %broadcast_in_dim3A_204] : memref<512x32xf32, #tpu.memory_space<vmem>>[vector<16xi32>, vector<16xi32>], vector<16xf32>,
      %mul3A_207 = arith.mulf %gather3A_205, %gather3A_206 : vector<16xf32>
      %add3A_208 = arith.addf %add3A_202, %mul3A_207 : vector<16xf32>
      %broadcast_in_dim3A_209 = arith.constant 29 : i32
      %broadcast_in_dim3A_210 = vector.broadcast %broadcast_in_dim3A_209 : i32 to vector<16xi32>
      %gather3A_211 = tpu.vector_load_idx %arg12[%add3A_33, %broadcast_in_dim3A_210] : memref<512x32xf32, #tpu.memory_space<vmem>>[vector<16xi32>, vector<16xi32>], vector<16xf32>,
      %gather3A_212 = tpu.vector_load_idx %arg13[%add3A_33, %broadcast_in_dim3A_210] : memref<512x32xf32, #tpu.memory_space<vmem>>[vector<16xi32>, vector<16xi32>], vector<16xf32>,
      %mul3A_213 = arith.mulf %gather3A_211, %gather3A_212 : vector<16xf32>
      %add3A_214 = arith.addf %add3A_208, %mul3A_213 : vector<16xf32>
      %broadcast_in_dim3A_215 = arith.constant 30 : i32
      %broadcast_in_dim3A_216 = vector.broadcast %broadcast_in_dim3A_215 : i32 to vector<16xi32>
      %gather3A_217 = tpu.vector_load_idx %arg12[%add3A_33, %broadcast_in_dim3A_216] : memref<512x32xf32, #tpu.memory_space<vmem>>[vector<16xi32>, vector<16xi32>], vector<16xf32>,
      %gather3A_218 = tpu.vector_load_idx %arg13[%add3A_33, %broadcast_in_dim3A_216] : memref<512x32xf32, #tpu.memory_space<vmem>>[vector<16xi32>, vector<16xi32>], vector<16xf32>,
      %mul3A_219 = arith.mulf %gather3A_217, %gather3A_218 : vector<16xf32>
      %add3A_220 = arith.addf %add3A_214, %mul3A_219 : vector<16xf32>
      %broadcast_in_dim3A_221 = arith.constant 31 : i32
      %broadcast_in_dim3A_222 = vector.broadcast %broadcast_in_dim3A_221 : i32 to vector<16xi32>
      %gather3A_223 = tpu.vector_load_idx %arg12[%add3A_33, %broadcast_in_dim3A_222] : memref<512x32xf32, #tpu.memory_space<vmem>>[vector<16xi32>, vector<16xi32>], vector<16xf32>,
      %gather3A_224 = tpu.vector_load_idx %arg13[%add3A_33, %broadcast_in_dim3A_222] : memref<512x32xf32, #tpu.memory_space<vmem>>[vector<16xi32>, vector<16xi32>], vector<16xf32>,
      %mul3A_225 = arith.mulf %gather3A_223, %gather3A_224 : vector<16xf32>
      %add3A_226 = arith.addf %add3A_220, %mul3A_225 : vector<16xf32>
      %mul3A_227 = arith.constant 16 : i32
      %mul3A_228 = arith.muli %scan3A_28, %mul3A_227 : i32
      %get3A = arith.index_cast %mul3A_228 : i32 to index
      %get3A_229 = tpu.vector_load %arg14[%get3A] {strides = array<i32>} : memref<512xf32, #tpu.memory_space<vmem>>, vector<16xf32>,
      %mul3A_230 = arith.constant 16 : i32
      %mul3A_231 = arith.muli %scan3A_28, %mul3A_230 : i32
      %get3A_232 = arith.index_cast %mul3A_231 : i32 to index
      %get3A_233 = tpu.vector_load %arg15[%get3A_232] {strides = array<i32>} : memref<512xf32, #tpu.memory_space<vmem>>, vector<16xf32>,
      %mul3A_234 = arith.constant 16 : i32
      %mul3A_235 = arith.muli %scan3A_28, %mul3A_234 : i32
      %get3A_236 = arith.index_cast %mul3A_235 : i32 to index
      %get3A_237 = tpu.vector_load %arg16[%get3A_236] {strides = array<i32>} : memref<512xf32, #tpu.memory_space<vmem>>, vector<16xf32>,
      %add3A_238 = arith.addf %get3A_229, %get3A_233 : vector<16xf32>
      %add3A_239 = arith.addf %add3A_238, %add3A_226 : vector<16xf32>
      %sub3A = arith.subf %add3A_239, %get3A_237 : vector<16xf32>
      %mul3A_240 = arith.mulf %sub3A, %sub3A : vector<16xf32>
      %add3A_241 = arith.addf %scan3A_29, %mul3A_240 : vector<16xf32>
      scf.yield %add3A_241 : vector<16xf32>
    }
    %scan3A_26 = arith.constant 32 : i32
    %swap3A = arith.constant 0 : index
    %swap3A_27 = tpu.vector_load %arg17[%swap3A] {strides = array<i32>} : memref<16xf32, #tpu.memory_space<vmem>>, vector<16xf32>,
    tpu.vector_store %arg17[%swap3A], %scan3A_25 {strides = array<i32>} : memref<16xf32, #tpu.memory_space<vmem>>, vector<16xf32>,
    "tpu.region"() ({
      %run_scoped3A = tpu.sem_alloc : memref<!tpu.dma_semaphore, #tpu.memory_space<semaphore_mem>>
      %dma_start3A_28 = arith.constant 0 : i32
      %dma_start3A_29 = tpu.memref_slice %arg9[%add3A, %dma_start3A_28] : memref<32x16xf32, #tpu.memory_space<hbm>> -> memref<1x16xf32, #tpu.memory_space<hbm>>
      %dma_start3A_30 = tpu.memref_squeeze %dma_start3A_29 : memref<1x16xf32, #tpu.memory_space<hbm>> -> memref<16xf32, #tpu.memory_space<hbm>>
      %dma_start3A_31 = arith.constant 0 : i32
      %dma_start3A_32 = tpu.memref_slice %arg9[%add3A, %dma_start3A_31] : memref<32x16xf32, #tpu.memory_space<hbm>> -> memref<1x16xf32, #tpu.memory_space<hbm>>
      %dma_start3A_33 = tpu.memref_squeeze %dma_start3A_32 : memref<1x16xf32, #tpu.memory_space<hbm>> -> memref<16xf32, #tpu.memory_space<hbm>>
      tpu.enqueue_dma source(%arg17 : memref<16xf32, #tpu.memory_space<vmem>>) target(%dma_start3A_33 : memref<16xf32, #tpu.memory_space<hbm>>) target_semaphore(%run_scoped3A : memref<!tpu.dma_semaphore, #tpu.memory_space<semaphore_mem>>)
      %dma_wait3A_34 = arith.constant 0 : i32
      %dma_wait3A_35 = tpu.memref_slice %arg9[%add3A, %dma_wait3A_34] : memref<32x16xf32, #tpu.memory_space<hbm>> -> memref<1x16xf32, #tpu.memory_space<hbm>>
      %dma_wait3A_36 = tpu.memref_squeeze %dma_wait3A_35 : memref<1x16xf32, #tpu.memory_space<hbm>> -> memref<16xf32, #tpu.memory_space<hbm>>
      %dma_wait3A_37 = arith.constant 0 : i32
      %dma_wait3A_38 = tpu.memref_slice %arg9[%add3A, %dma_wait3A_37] : memref<32x16xf32, #tpu.memory_space<hbm>> -> memref<1x16xf32, #tpu.memory_space<hbm>>
      %dma_wait3A_39 = tpu.memref_squeeze %dma_wait3A_38 : memref<1x16xf32, #tpu.memory_space<hbm>> -> memref<16xf32, #tpu.memory_space<hbm>>
      tpu.wait_dma2 semaphore(%run_scoped3A : memref<!tpu.dma_semaphore, #tpu.memory_space<semaphore_mem>>) src(%arg17 : memref<16xf32, #tpu.memory_space<vmem>>) dst(%dma_wait3A_39 : memref<16xf32, #tpu.memory_space<hbm>>)
      tpu.yield
    }) : () -> ()
    return
  }
}

</mosaic_0001>

<sc_bundles>
// kernel: _sc_loss_partials.3.cloned.1.call-start
scs
__scs_entry_jumppad:
0x0: {  	(pc) =	sbr.rel $0x88, $3  }
0x1: {  	(tag) =	ssettag $0x0;
	lr =	simm.s32 $0x1  }
0x2: {  	[smem:$0x3F9A] =	sst lr;
	_ =	strace $0xD0000000  }
0x3: {  	_ = 	snop  }
0x4: {  	_ = 	snop  }
0x5: {  	_ = 	snop  }
0x6: {  	_ = 	snop  }
0x7: {  	_ = 	snop  }
__scs_overlays_trampoline_lowered:
0x8: {  	[smem:$0x3FA9] =	sst s0  }
0x9: {  	[smem:$0x3FAA] =	sst s1  }
0xa: {  	[smem:$0x3FAB] =	sst s2  }
0xb: {  	[smem:$0x3FAC] =	sst s3  }
0xc: {  	[smem:$0x3FAD] =	sst s4  }
0xd: {  	[smem:$0x3FAE] =	sst s5  }
0xe: {  	[smem:$0x3FAF] =	sst s6  }
0xf: {  	[smem:$0x3FB0] =	sst s7  }
0x10: {  	[smem:$0x3FB1] =	sst s8  }
0x11: {  	[smem:$0x3FB2] =	sst s9;
	s0 =	simm.s32 @!p0 $0x0  }
0x12: {  	s1 =	sld [smem:$0x3F98];
	s0 =	simm.s32 @p0 $0x1  }
0x13: {  	[smem:$0x3FB3] =	sst s0;
	s0 =	simm.s32 @!p1 $0x0  }
0x14: {  	s2 =	sld [smem:$0x3F97];
	s0 =	simm.s32 @p1 $0x1  }
0x15: {  	[smem:$0x3FB4] =	sst s0;
	s0 =	simm.s32 @!p2 $0x0  }
0x16: {  	s3 =	sld [smem:$0x3FDB];
	s0 =	simm.s32 @p2 $0x1  }
0x17: {  	s4 =	simm.s32 $0x1BF5;
	[smem:$0x3FB6] =	sst s0  }
0x18: {  	s0 =	sld [smem:$0x3F99];
	_ =	swait.ge [sflag:s4], $0x0  }
0x19: {  	s7 =	sld [smem:$0x3F9A]  }
0x1a: {  	s8 =	sadd.s32 $0xFFFFE003, lr  }
0x1b: {  	s9 =	sadd.s32 $0xFFFFFEF7, lr;
	s5 =	simm.s32 $0xFFFFFFFF;
	p2 =	slt.u32 s8, $0xFFFFF086  }
0x1c: {  	p1 =	slt.u32 s9, $0xF7A;
	s5 =	simm.s32 @!p2 $0x0  }
0x1d: {  	s5 =	simm.s32 @p1 $0x1;
	p0 =	seq.s32 s7, s2  }
0x1e: {  	s7 =	smul.u32 @!p0 $0xF7A, s2;
	p2 =	seq.s32 @!p0 s5, $0x0  }
0x1f: {  	s9 =	smul.u32 $0xF7A, s1;
	s8 =	simm.s32 @!p0 $0x1BF5;
	p2 =	por !p2, p0  }
0x20: {  	[sflag:s8] =	ssyncset.s32 @!p0 $0xFFFFF086;
	s6 =	sadd.s32 @!p0 s3, s7;
	s7 =	simm.s32 @!p0 $0x108  }
0x21: {  	s3 =	sadd.s32 s3, s9;
	s6 =	sadd.s32 @!p0 $0x88, s6;
	s7 =	simm.s32 @p2 $0x1082  }
0x22: {  	[simem:s7], [sflag:s8] =	dma.local @!p0 [hbm:s6], $0xF7A  }
0x23: {  	s9 =	sor.u32 $0xD0000000, s2;
	s6 =	simm.s32 $0x108;
	_ =	swait.ge @!p0 [sflag:s8], $0x0  }
0x24: {  	s3 =	sadd.s32 $0x88, s3;
	s6 =	simm.s32 @!p1 $0x1082;
	[sflag:s4] =	ssyncset.s32 $0xFFFFF086  }
0x25: {  	[simem:s6], [sflag:s4] =	dma.local [hbm:s3], $0xF7A  }
0x26: {  	[smem:$0x3F9A] =	sst s1;
	(tag) =	ssettag s2;
	_ =	strace s9  }
0x27: {  	s1 =	sld [smem:$0x3FAA]  }
0x28: {  	s2 =	sld [smem:$0x3FAB]  }
0x29: {  	s4 =	sld [smem:$0x3FAD]  }
0x2a: {  	p0 =	seq.s32 s5, $0x0;
	s5 =	sld [smem:$0x3FAE]  }
0x2b: {  	s6 =	sld [smem:$0x3FAF]  }
0x2c: {  	s7 =	sld [smem:$0x3FB0]  }
0x2d: {  	s3 =	simm.s32 $0x108;
	s8 =	sld [smem:$0x3FB1]  }
0x2e: {  	s3 =	simm.s32 @!p0 $0x1082;
	s9 =	sld [smem:$0x3FB2]  }
0x2f: {  	lr =	sadd.s32 s0, s3;
	s0 =	sld [smem:$0x3FA9]  }
0x30: {  	s3 =	sld [smem:$0x3FAC]  }
0x31: {  	[smem:$0x3FB5] =	sst s10  }
0x32: {  	s10 =	sld [smem:$0x3FB3];
	_ =	sdelay $0x3  }
0x33: {  	p0 =	seq.s32 s10, $0x1;
	s10 =	sld [smem:$0x3FB5];
	_ =	sdelay $0x3  }
0x34: {  	[smem:$0x3FB5] =	sst s10  }
0x35: {  	s10 =	sld [smem:$0x3FB4];
	_ =	sdelay $0x3  }
0x36: {  	p1 =	seq.s32 s10, $0x1;
	s10 =	sld [smem:$0x3FB5];
	_ =	sdelay $0x3  }
0x37: {  	[smem:$0x3FB5] =	sst s10  }
0x38: {  	s10 =	sld [smem:$0x3FB6]  }
0x39: {  	_ = 	snop;
	(pc) =	sbr.ind lr, $3  }
0x3a: {  	_ = 	snop  }
0x3b: {  	_ = 	snop  }
0x3c: {  	p2 =	seq.s32 s10, $0x1;
	s10 =	sld [smem:$0x3FB5]  }
0x3d: {  	_ =	shalt  }
0x3e: {  	_ =	shalt  }
0x3f: {  	_ =	shalt  }
0x40: {  	_ =	shalt  }
0x41: {  	_ =	shalt  }
0x42: {  	_ =	shalt  }
0x43: {  	_ =	shalt  }
0x44: {  	_ =	shalt  }
0x45: {  	_ =	shalt  }
0x46: {  	_ =	shalt  }
0x47: {  	_ =	shalt  }
0x48: {  	_ =	shalt  }
0x49: {  	_ =	shalt  }
0x4a: {  	_ =	shalt  }
0x4b: {  	_ =	shalt  }
0x4c: {  	_ =	shalt  }
0x4d: {  	_ =	shalt  }
0x4e: {  	_ =	shalt  }
0x4f: {  	_ =	shalt  }
0x50: {  	_ =	shalt  }
0x51: {  	_ =	shalt  }
0x52: {  	_ =	shalt  }
0x53: {  	_ =	shalt  }
0x54: {  	_ =	shalt  }
0x55: {  	_ =	shalt  }
0x56: {  	_ =	shalt  }
0x57: {  	_ =	shalt  }
0x58: {  	_ =	shalt  }
0x59: {  	_ =	shalt  }
0x5a: {  	_ =	shalt  }
0x5b: {  	_ =	shalt  }
0x5c: {  	_ =	shalt  }
0x5d: {  	_ =	shalt  }
0x5e: {  	_ =	shalt  }
0x5f: {  	_ =	shalt  }
0x60: {  	_ =	shalt  }
0x61: {  	_ =	shalt  }
0x62: {  	_ =	shalt  }
0x63: {  	_ =	shalt  }
0x64: {  	_ =	shalt  }
0x65: {  	_ =	shalt  }
0x66: {  	_ =	shalt  }
0x67: {  	_ =	shalt  }
0x68: {  	_ =	shalt  }
0x69: {  	_ =	shalt  }
0x6a: {  	_ =	shalt  }
0x6b: {  	_ =	shalt  }
0x6c: {  	_ =	shalt  }
0x6d: {  	_ =	shalt  }
0x6e: {  	_ =	shalt  }
0x6f: {  	_ =	shalt  }
0x70: {  	_ =	shalt  }
0x71: {  	_ =	shalt  }
0x72: {  	_ =	shalt  }
0x73: {  	_ =	shalt  }
0x74: {  	_ =	shalt  }
0x75: {  	_ =	shalt  }
0x76: {  	_ =	shalt  }
0x77: {  	_ =	shalt  }
0x78: {  	_ =	shalt  }
0x79: {  	_ =	shalt  }
0x7a: {  	_ =	shalt  }
0x7b: {  	_ =	shalt  }
0x7c: {  	_ =	shalt  }
0x7d: {  	_ =	shalt  }
0x7e: {  	_ =	shalt  }
0x7f: {  	_ =	shalt  }
0x80: {  	_ =	shalt  }
0x81: {  	_ =	shalt  }
0x82: {  	_ =	shalt  }
0x83: {  	_ =	shalt  }
0x84: {  	_ =	shalt  }
0x85: {  	_ =	shalt  }
0x86: {  	_ =	shalt  }
0x87: {  	_ =	shalt  }
.Lfunc_end0:
.L_simem_size_0:
called_computation_lowered:
.L_overlay_start_0:
0x88: {  	s2 =	sld [smem:$0x3FD9]  }
0x89: {  	s3 =	sld [smem:$0x3FFE];
	_ =	sdelay $0x1  }
0x8a: {  	s1 =	srdreg.scid  }
0x8b: {  	s0 =	sand.u32 $0x1, s1  }
0x8c: {  	s17 =	sshll.u32 s0, $0xA;
	s2 =	sadd.s32 s3, s2  }
0x8d: {  	s2 =	sadd.s32 s2, s17  }
0x8e: {  	[smem:$0x3FC1] =	sst s2  }
0x8f: {  	_ = 	snop  }
0x90: {  	s2 =	sld [smem:$0x3FC9]  }
0x91: {  	s18 =	sld [smem:$0x3FC8]  }
0x92: {  	s4 =	sld [smem:$0x3FC7]  }
0x93: {  	s5 =	sld [smem:$0x3FC6]  }
0x94: {  	s6 =	sld [smem:$0x3FC5]  }
0x95: {  	s7 =	sld [smem:$0x3FD0];
	(tm) =	ssettm $0x1  }
0x96: {  	s8 =	sld [smem:$0x3FFB];
	_ =	sdelay $0x3  }
0x97: {  	_ =	strace s8  }
0x98: {  	s8 =	sld [smem:$0x3FFC];
	_ =	sdelay $0x3  }
0x99: {  	_ =	strace s8  }
0x9a: {  	s8 =	sld [smem:$0x3FFD];
	_ =	sdelay $0x3  }
0x9b: {  	_ =	strace s8  }
0x9c: {  	_ =	strace $0x8FFFFFFF  }
0x9d: {  	s19 =	sld [smem:$0x3FDB];
	_ =	sdelay $0x1  }
0x9e: {  	s9 =	simm.s32 $_scs_section_size  }
0x9f: {  	s10 =	simm.s32 $_size__tile_overlayer_lowered;
	s11 =	simm.s32 $_tile_overlayer_lowered  }
0xa0: {  	s22 =	simm.s32 $0x1BFF;
	s21 =	sshll.u32 s11, $0x1;
	s8 =	sadd.s32 s9, s19  }
0xa1: {  	s12 =	simm.s32 $0x0;
	s20 =	sshll.u32 s10, $0x1;
	s10 =	sadd.s32 s21, s8  }
0xa2: {  	[timem:s12], [sflag:s22] =	dma.local [hbm:s10], s20  }
0xa3: {  	_ =	swait.ge [sflag:s22], s20  }
0xa4: {  	s9 =	ssub.s32 $0x0, s20;
	[sflag:s22] =	ssyncset.done $0x0  }
0xa5: {  	[sflag:s22] =	ssyncadd.s32 s9;
	_ =	sdelay $0x1  }
0xa6: {  	s23 =	simm.s32 $0x1B8B  }
0xa7: {  	_ =	swait.ge [sflag:s23], $0x1  }
0xa8: {  	[sflag:s23] =	ssyncset.done $0x0  }
0xa9: {  	s25 =	simm.s32 $0x1B8E;
	s24 =	sld [smem:$0x3FFE];
	[sflag:s23] =	ssyncadd.s32 $0xFFFFFFFF  }
0xaa: {  	s26 =	simm.s32 $execute0_lowered;
	[smem:$0x3FD2] =	sst s25  }
0xab: {  	s10 =	sshll.u32 s26, $0x1;
	_ =	strace $0x80000046;
	[dreg:$0x1] =	wrdreg $0xFFFFFFFF  }
0xac: {  	s28 =	simm.s32 $_size_execute0_lowered;
	s8 =	sadd.s32 s8, s10;
	[dreg:$0x0] =	wrdreg $0x0  }
0xad: {  	s10 =	sshll.u32 s28, $0x1;
	[dreg:$0x2] =	wrdreg s8  }
0xae: {  	[dreg:$0x3] =	wrdreg s10  }
0xaf: {  	[dreg:$0x4] =	wrdreg $0xC0  }
0xb0: {  	_ =	task [dreg:s12], $0x5FFFF  }
0xb1: {  	[dreg:$0x1] =	wrdreg $0xFFFFFFFF  }
0xb2: {  	[dreg:$0x0] =	wrdreg $0x60  }
0xb3: {  	[dreg:$0x2] =	wrdreg s2  }
0xb4: {  	[dreg:$0x3] =	wrdreg s18  }
0xb5: {  	[dreg:$0x4] =	wrdreg s4  }
0xb6: {  	[dreg:$0x5] =	wrdreg s5  }
0xb7: {  	[dreg:$0x6] =	wrdreg s6  }
0xb8: {  	[dreg:$0x7] =	wrdreg s24  }
0xb9: {  	[dreg:$0x8] =	wrdreg s7  }
0xba: {  	[dreg:$0x9] =	wrdreg $0x9  }
0xbb: {  	_ =	task.clear_ibuf [dreg:s12], $0xAFFFF;
	_ =	strace $0x90000046  }
0xbc: {  	s29 =	simm.s32 $0x9;
	_ =	strace $0x80000048  }
0xbd: {  	_ =	swait.ge [sflag:s29], $0x1  }
0xbe: {  	[sflag:s29] =	ssyncadd.s32 $0xFFFFFFFF  }
0xbf: {  	_ =	strace $0x90000048  }
0xc0: {  	_ =	sfence  }
0xc1: {  	s30 =	sld [smem:$0x0];
	_ =	sdelay $0x2  }
0xc2: {  	s31 =	sshll.u32 s1, $0xD;
	s1 =	sshrl.u32 s1, $0x2  }
0xc3: {  	s3 =	sand.u32 $0x4000, s31;
	s1 =	sadd.s32 s1, s30  }
0xc4: {  	s0 =	sor.u32 s3, s0;
	s1 =	sshll.u32 s1, $0x11  }
0xc5: {  	s0 =	sor.u32 s1, s0  }
0xc6: {  	s0 =	sadd.s32 $0x8F2B, s0  }
0xc7: {  	[sflag:s0] =	ssyncadd.remote.s32 $0x1  }
0xc8: {  	_ =	sfence.sel $0xFFFF  }
0xc9: {  	[dreg:$0x0] =	wrdreg $0xFFFFFFFF;
	(pc) =	sbr.abs _section_cstart, $3  }
0xca: {  	[dreg:$0x1] =	wrdreg $0xFFFFFFFF  }
0xcb: {  	_ =	task.clear_ibuf [dreg:s12], $0x2FFFF;
	_ =	strace $0x9FFFFFFF  }
0xcc: {  	(tm) =	ssettm $0x7FFFFFFF  }
0xcd: {  	_ =	shalt  }
tec
execute0_lowered:
.L_overlay_start_1:
0x0: {  	(tag) =	ssettag $0x1  }
0x1: {  	s7 =	rddreg [dreg:$0x0]  }
0x2: {  	s8 =	rddreg [dreg:$0x1]  }
0x3: {  	s9 =	rddreg [dreg:$0x2]  }
0x4: {  	s1 =	rddreg [dreg:$0x3]  }
0x5: {  	s2 =	rddreg [dreg:$0x4]  }
0x6: {  	s6 =	rddreg [dreg:$0x5]  }
0x7: {  	s10 =	rddreg [dreg:$0x6]  }
0x8: {  	s0 =	rddreg [dreg:$0x7]  }
0x9: {  	s4 =	simm.s32 $0x0;
	s5 =	srdreg.scid;
	s3 =	stileid.u32  }
0xa: {  	s15 =	simm.s32 $0x4400;
	s16 =	simm.s32 $0x1;
	s17 =	simm.s32 $0x2  }
0xb: {  	s18 =	simm.s32 $0x3;
	s19 =	simm.s32 $0x4;
	s20 =	simm.s32 $0x8A00  }
0xc: {  	s21 =	simm.s32 $0x0;
	[smem:$0x7FF] =	sst s4;
	s5 =	sand.u32 $0x1, s5  }
0xd: {  	s11 =	sshll.u32 s3, $0x1;
	_ =	strace $0x80000047;
	s12 =	ssub.s32 $0x2, s5  }
0xe: {  	s11 =	sor.u32 s5, s11;
	s5 =	sadd.s32 $0xF42A00, s6;
	s6 =	sadd.s32 $0x187000, s6  }
0xf: {  	s13 =	sshrl.u32 s12, $0x1;
	s14 =	sshll.u32 s11, $0x6;
	s11 =	sshll.u32 s11, $0x1  }
0x10: {  	v0 =	vlaneseq.u32;
	s12 =	ssub.s32 s12, s13;
	s7 =	sadd.s32 s7, s14;
	s8 =	sadd.s32 s8, s14  }
0x11: {  	v0 =	vmul.u32 $0x20, v0;
	s9 =	sadd.s32 s9, s14;
	s10 =	sadd.s32 s10, s11;
	s13 =	simm.s32 $0x200  }
0x12: {  	s14 =	simm.s32 $0x400;
	s11 =	smax.u32 s12, $0x1;
	s12 =	simm.s32 $0x5  }
.LBB2_1:
0x13: {  	[tilespmem:s4], [sflag:$0x5] =	stream.linear.gather [hbm4b:s7+s4], $0x200, $0x38;
	[tilespmem:$0x8A10] =	vst v63  }
0x14: {  	_ =	swait.ge [sflag:s12], $0x200  }
0x15: {  	[sflag:s12] =	ssyncset.done $0x0  }
0x16: {  	[sflag:s12] =	ssyncadd.s32 $0xFFFFFE00  }
0x17: {  	[tilespmem:s13], [sflag:$0x5] =	stream.linear.gather [hbm4b:s8+s4], $0x200, $0x38;
	[tilespmem:$0x8A10] =	vst v63  }
0x18: {  	_ =	swait.ge [sflag:s12], $0x200  }
0x19: {  	[sflag:s12] =	ssyncset.done $0x0  }
0x1a: {  	[sflag:s12] =	ssyncadd.s32 $0xFFFFFE00  }
0x1b: {  	[tilespmem:s14], [sflag:$0x1] =	stream.indirect.gather [hbm4b:s5+s13], $0x20, s4, s13, $0xb8;
	[tilespmem:$0x8A10] =	vst v63  }
0x1c: {  	_ = 	snop  }
0x1d: {  	[tilespmem:s15], [sflag:$0x2] =	stream.indirect.gather [hbm4b:s6+s13], $0x20, s13, s13, $0xb8;
	[tilespmem:$0x8A10] =	vst v63  }
0x1e: {  	s23 =	simm.s32 $0x8400  }
0x1f: {  	[tilespmem:s23], [sflag:$0x3] =	stream.indirect.gather [hbm4b:s1+s13], $0x1, s4, s13, $0xb8;
	[tilespmem:$0x8A10] =	vst v63  }
0x20: {  	s24 =	simm.s32 $0x8600  }
0x21: {  	[tilespmem:s24], [sflag:$0x4] =	stream.indirect.gather [hbm4b:s2+s13], $0x1, s13, s13, $0xb8;
	[tilespmem:$0x8A10] =	vst v63  }
0x22: {  	s22 =	simm.s32 $0x8800  }
0x23: {  	[tilespmem:s22], [sflag:$0x5] =	stream.linear.gather [hbm4b:s9+s4], $0x200, $0x38;
	[tilespmem:$0x8A10] =	vst v63  }
0x24: {  	_ =	swait.ge [sflag:s12], $0x200  }
0x25: {  	[sflag:s12] =	ssyncset.done $0x0  }
0x26: {  	[sflag:s12] =	ssyncadd.s32 $0xFFFFFE00  }
0x27: {  	_ =	swait.ge [sflag:s16], $0x4000  }
0x28: {  	[sflag:s16] =	ssyncset.done $0x0  }
0x29: {  	[sflag:s16] =	ssyncadd.s32 $0xFFFFC000  }
0x2a: {  	_ =	swait.ge [sflag:s17], $0x4000  }
0x2b: {  	[sflag:s17] =	ssyncset.done $0x0  }
0x2c: {  	v1 =	vmov s4;
	[sflag:s17] =	ssyncadd.s32 $0xFFFFC000  }
0x2d: {  	v1 =	vshll.u32 v1, $0x5;
	_ =	swait.ge [sflag:s18], $0x200  }
0x2e: {  	v1 =	vor.u32 v0, v1;
	[sflag:s18] =	ssyncset.done $0x0  }
0x2f: {  	[sflag:s18] =	ssyncadd.s32 $0xFFFFFE00  }
0x30: {  	v2 =	vor.u32 $0x1, v1;
	_ =	swait.ge [sflag:s19], $0x200  }
0x31: {  	[sflag:s19] =	ssyncset.done $0x0  }
0x32: {  	v3 =	vor.u32 $0x2, v1;
	[sflag:s19] =	ssyncadd.s32 $0xFFFFFE00  }
0x33: {  	v4 =	vld.idx.msk [tilespmem:v1+s14+$0x0], $0xffff  }
0x34: {  	v6 =	vor.u32 $0x3, v1;
	v5 =	vld.idx.msk [tilespmem:v1+s15+$0x0], $0xffff  }
0x35: {  	v7 =	vld.idx.msk [tilespmem:v2+s14+$0x0], $0xffff  }
0x36: {  	v8 =	vor.u32 $0x4, v1;
	v2 =	vld.idx.msk [tilespmem:v2+s15+$0x0], $0xffff  }
0x37: {  	v10 =	vld.idx.msk [tilespmem:v3+s14+$0x0], $0xffff  }
0x38: {  	v9 =	vor.u32 $0x5, v1;
	v3 =	vld.idx.msk [tilespmem:v3+s15+$0x0], $0xffff  }
0x39: {  	v36 =	vld.idx.msk [tilespmem:v6+s14+$0x0], $0xffff  }
0x3a: {  	v11 =	vor.u32 $0x7, v1;
	v37 =	vld.idx.msk [tilespmem:v6+s15+$0x0], $0xffff  }
0x3b: {  	v38 =	vld.idx.msk [tilespmem:v8+s14+$0x0], $0xffff  }
0x3c: {  	v6 =	vor.u32 $0x6, v1;
	v8 =	vld.idx.msk [tilespmem:v8+s15+$0x0], $0xffff  }
0x3d: {  	v39 =	vld.idx.msk [tilespmem:v9+s14+$0x0], $0xffff  }
0x3e: {  	v40 =	vld.idx.msk [tilespmem:v9+s15+$0x0], $0xffff;
	v9 =	vor.u32 $0x8, v1  }
0x3f: {  	v43 =	vld.idx.msk [tilespmem:v11+s14+$0x0], $0xffff  }
0x40: {  	v44 =	vld.idx.msk [tilespmem:v11+s15+$0x0], $0xffff;
	v11 =	vor.u32 $0xA, v1  }
0x41: {  	v41 =	vld.idx.msk [tilespmem:v6+s14+$0x0], $0xffff  }
0x42: {  	v42 =	vld.idx.msk [tilespmem:v6+s15+$0x0], $0xffff;
	v6 =	vor.u32 $0x9, v1  }
0x43: {  	v45 =	vld.idx.msk [tilespmem:v9+s14+$0x0], $0xffff  }
0x44: {  	v46 =	vld.idx.msk [tilespmem:v9+s15+$0x0], $0xffff;
	v9 =	vor.u32 $0xB, v1  }
0x45: {  	v49 =	vld.idx.msk [tilespmem:v11+s14+$0x0], $0xffff  }
0x46: {  	v50 =	vld.idx.msk [tilespmem:v11+s15+$0x0], $0xffff;
	v11 =	vor.u32 $0xD, v1  }
0x47: {  	v47 =	vld.idx.msk [tilespmem:v6+s14+$0x0], $0xffff  }
0x48: {  	v48 =	vld.idx.msk [tilespmem:v6+s15+$0x0], $0xffff;
	v6 =	vor.u32 $0xC, v1  }
0x49: {  	v51 =	vld.idx.msk [tilespmem:v9+s14+$0x0], $0xffff  }
0x4a: {  	v52 =	vld.idx.msk [tilespmem:v9+s15+$0x0], $0xffff;
	v9 =	vor.u32 $0xE, v1  }
0x4b: {  	v55 =	vld.idx.msk [tilespmem:v11+s14+$0x0], $0xffff  }
0x4c: {  	v56 =	vld.idx.msk [tilespmem:v11+s15+$0x0], $0xffff;
	v11 =	vor.u32 $0x10, v1  }
0x4d: {  	v53 =	vld.idx.msk [tilespmem:v6+s14+$0x0], $0xffff  }
0x4e: {  	v54 =	vld.idx.msk [tilespmem:v6+s15+$0x0], $0xffff;
	v6 =	vor.u32 $0xF, v1  }
0x4f: {  	v57 =	vld.idx.msk [tilespmem:v9+s14+$0x0], $0xffff  }
0x50: {  	v58 =	vld.idx.msk [tilespmem:v9+s15+$0x0], $0xffff;
	v9 =	vor.u32 $0x11, v1  }
0x51: {  	v35 =	vld.idx.msk [tilespmem:v11+s14+$0x0], $0xffff  }
0x52: {  	v61 =	vld.idx.msk [tilespmem:v11+s15+$0x0], $0xffff;
	v11 =	vor.u32 $0x13, v1  }
0x53: {  	v59 =	vld.idx.msk [tilespmem:v6+s14+$0x0], $0xffff  }
0x54: {  	v60 =	vld.idx.msk [tilespmem:v6+s15+$0x0], $0xffff;
	v6 =	vor.u32 $0x12, v1  }
0x55: {  	v33 =	vld.idx.msk [tilespmem:v9+s14+$0x0], $0xffff  }
0x56: {  	v34 =	vld.idx.msk [tilespmem:v9+s15+$0x0], $0xffff;
	v9 =	vor.u32 $0x14, v1  }
0x57: {  	v29 =	vld.idx.msk [tilespmem:v11+s14+$0x0], $0xffff  }
0x58: {  	v30 =	vld.idx.msk [tilespmem:v11+s15+$0x0], $0xffff;
	v11 =	vor.u32 $0x16, v1  }
0x59: {  	v31 =	vld.idx.msk [tilespmem:v6+s14+$0x0], $0xffff  }
0x5a: {  	v32 =	vld.idx.msk [tilespmem:v6+s15+$0x0], $0xffff;
	v6 =	vor.u32 $0x15, v1  }
0x5b: {  	v27 =	vld.idx.msk [tilespmem:v9+s14+$0x0], $0xffff  }
0x5c: {  	v28 =	vld.idx.msk [tilespmem:v9+s15+$0x0], $0xffff;
	v9 =	vor.u32 $0x17, v1  }
0x5d: {  	v23 =	vld.idx.msk [tilespmem:v11+s14+$0x0], $0xffff  }
0x5e: {  	v24 =	vld.idx.msk [tilespmem:v11+s15+$0x0], $0xffff;
	v11 =	vor.u32 $0x19, v1  }
0x5f: {  	v25 =	vld.idx.msk [tilespmem:v6+s14+$0x0], $0xffff  }
0x60: {  	v26 =	vld.idx.msk [tilespmem:v6+s15+$0x0], $0xffff;
	v6 =	vor.u32 $0x18, v1  }
0x61: {  	v21 =	vld.idx.msk [tilespmem:v9+s14+$0x0], $0xffff  }
0x62: {  	v22 =	vld.idx.msk [tilespmem:v9+s15+$0x0], $0xffff;
	v9 =	vor.u32 $0x1A, v1  }
0x63: {  	v17 =	vld.idx.msk [tilespmem:v11+s14+$0x0], $0xffff  }
0x64: {  	v18 =	vld.idx.msk [tilespmem:v11+s15+$0x0], $0xffff;
	v11 =	vor.u32 $0x1C, v1  }
0x65: {  	v19 =	vld.idx.msk [tilespmem:v6+s14+$0x0], $0xffff  }
0x66: {  	v62 =	vor.u32 $0x1D, v1;
	v20 =	vld.idx.msk [tilespmem:v6+s15+$0x0], $0xffff  }
0x67: {  	v6 =	vor.u32 $0x1B, v1;
	v15 =	vld.idx.msk [tilespmem:v9+s14+$0x0], $0xffff  }
0x68: {  	v4 =	vmul.f32 v5, v4;
	v16 =	vld.idx.msk [tilespmem:v9+s15+$0x0], $0xffff  }
0x69: {  	v9 =	vld.idx.msk [tilespmem:v11+s14+$0x0], $0xffff  }
0x6a: {  	v5 =	vor.u32 $0x1E, v1;
	v2 =	vmul.f32 v2, v7;
	v4 =	vadd.f32 $0.0e+00, v4;
	v13 =	vld.idx.msk [tilespmem:v11+s15+$0x0], $0xffff  }
0x6b: {  	v11 =	vld.idx.msk [tilespmem:v62+s15+$0x0], $0xffff  }
0x6c: {  	s25 =	simm.s32 $0x10;
	v3 =	vmul.f32 v3, v10;
	v2 =	vadd.f32 v2, v4;
	v1 =	vor.u32 $0x1F, v1;
	v12 =	vld.idx.msk [tilespmem:v6+s14+$0x0], $0xffff  }
0x6d: {  	v7 =	vmov s25;
	v14 =	vld.idx.msk [tilespmem:v6+s15+$0x0], $0xffff  }
0x6e: {  	v6 =	vld.idx.msk [tilespmem:v62+s14+$0x0], $0xffff;
	v62 =	vadd.f32 v3, v2;
	v2 =	vshll.u32 v7, $0x5  }
0x6f: {  	v36 =	vmul.f32 v37, v36;
	v4 =	vld.idx.msk [tilespmem:v5+s14+$0x0], $0xffff;
	v2 =	vor.u32 v0, v2  }
0x70: {  	v10 =	vld.idx.msk [tilespmem:v5+s15+$0x0], $0xffff  }
0x71: {  	v8 =	vmul.f32 v8, v38;
	v3 =	vld.idx.msk [tilespmem:v1+s14+$0x0], $0xffff;
	v5 =	vadd.f32 v36, v62;
	v36 =	vor.u32 $0x1, v2  }
0x72: {  	v7 =	vld.idx.msk [tilespmem:v1+s15+$0x0], $0xffff  }
0x73: {  	v1 =	vld [tilespmem:s22+$0x0];
	v62 =	vmul.f32 v40, v39;
	v39 =	vor.u32 $0x2, v2;
	v63 =	vadd.f32 v8, v5  }
0x74: {  	v40 =	vld.idx.msk [tilespmem:v2+s14+$0x0], $0xffff  }
0x75: {  	v37 =	vadd.f32 v62, v63;
	v63 =	vmul.f32 v42, v41;
	v41 =	vld.idx.msk [tilespmem:v2+s15+$0x0], $0xffff  }
0x76: {  	v42 =	vor.u32 $0x3, v2;
	v62 =	vmul.f32 v44, v43;
	v43 =	vld.idx.msk [tilespmem:v36+s14+$0x0], $0xffff  }
0x77: {  	v36 =	vld.idx.msk [tilespmem:v36+s15+$0x0], $0xffff  }
0x78: {  	v44 =	vor.u32 $0x4, v2;
	v37 =	vadd.f32 v63, v37;
	v63 =	vmul.f32 v46, v45;
	v45 =	vld.idx.msk [tilespmem:v39+s14+$0x0], $0xffff  }
0x79: {  	v39 =	vld.idx.msk [tilespmem:v39+s15+$0x0], $0xffff;
	v46 =	vor.u32 $0x5, v2  }
0x7a: {  	v5 =	vld [tilespmem:s23+$0x0];
	v37 =	vadd.f32 v62, v37  }
0x7b: {  	v48 =	vmul.f32 v48, v47;
	v47 =	vld.idx.msk [tilespmem:v42+s14+$0x0], $0xffff;
	v40 =	vmul.f32 v41, v40  }
0x7c: {  	v41 =	vld.idx.msk [tilespmem:v42+s15+$0x0], $0xffff;
	v42 =	vor.u32 $0x6, v2;
	v37 =	vadd.f32 v63, v37  }
0x7d: {  	v62 =	vmul.f32 v50, v49;
	v36 =	vmul.f32 v36, v43;
	v63 =	vld.idx.msk [tilespmem:v44+s15+$0x0], $0xffff;
	v40 =	vadd.f32 $0.0e+00, v40  }
0x7e: {  	v49 =	vld.idx.msk [tilespmem:v46+s14+$0x0], $0xffff;
	v39 =	vmul.f32 v39, v45;
	v45 =	vor.u32 $0x8, v2;
	v37 =	vadd.f32 v48, v37  }
0x7f: {  	v48 =	vld.idx.msk [tilespmem:v44+s14+$0x0], $0xffff;
	v44 =	vor.u32 $0x7, v2  }
0x80: {  	v52 =	vmul.f32 v52, v51;
	v36 =	vadd.f32 v36, v40;
	v40 =	vld.idx.msk [tilespmem:v46+s15+$0x0], $0xffff;
	v37 =	vadd.f32 v62, v37  }
0x81: {  	v53 =	vmul.f32 v54, v53;
	v46 =	vld.idx.msk [tilespmem:v42+s14+$0x0], $0xffff  }
0x82: {  	v54 =	vmul.f32 v41, v47;
	v41 =	vld.idx.msk [tilespmem:v42+s15+$0x0], $0xffff;
	v36 =	vadd.f32 v39, v36;
	v37 =	vadd.f32 v52, v37  }
0x83: {  	v42 =	vor.u32 $0x9, v2;
	v62 =	vmul.f32 v56, v55;
	v55 =	vld.idx.msk [tilespmem:v45+s14+$0x0], $0xffff  }
0x84: {  	v47 =	vld.idx.msk [tilespmem:v44+s14+$0x0], $0xffff;
	v36 =	vadd.f32 v54, v36;
	v37 =	vadd.f32 v53, v37  }
0x85: {  	v63 =	vmul.f32 v63, v48;
	v52 =	vld.idx.msk [tilespmem:v44+s15+$0x0], $0xffff;
	v54 =	vmul.f32 v58, v57;
	v58 =	vor.u32 $0xB, v2  }
0x86: {  	v57 =	vld.idx.msk [tilespmem:v45+s15+$0x0], $0xffff;
	v53 =	vor.u32 $0xA, v2;
	v37 =	vadd.f32 v62, v37  }
0x87: {  	v8 =	vld [tilespmem:s24+$0x0];
	v56 =	vmul.f32 v40, v49;
	v36 =	vadd.f32 v63, v36  }
0x88: {  	v59 =	vmul.f32 v60, v59;
	v49 =	vld.idx.msk [tilespmem:v42+s14+$0x0], $0xffff;
	v37 =	vadd.f32 v54, v37  }
0x89: {  	v60 =	vmul.f32 v41, v46;
	v63 =	vor.u32 $0xC, v2;
	v62 =	vld.idx.msk [tilespmem:v42+s15+$0x0], $0xffff;
	v36 =	vadd.f32 v56, v36  }
0x8a: {  	v35 =	vmul.f32 v61, v35;
	v51 =	vmul.f32 v52, v47;
	v54 =	vld.idx.msk [tilespmem:v58+s14+$0x0], $0xffff;
	v37 =	vadd.f32 v59, v37  }
0x8b: {  	v55 =	vmul.f32 v57, v55;
	v57 =	vor.u32 $0xE, v2;
	v50 =	vld.idx.msk [tilespmem:v53+s14+$0x0], $0xffff;
	v36 =	vadd.f32 v60, v36  }
0x8c: {  	v33 =	vmul.f32 v34, v33;
	v52 =	vld.idx.msk [tilespmem:v53+s15+$0x0], $0xffff;
	v53 =	vor.u32 $0xD, v2;
	v35 =	vadd.f32 v35, v37  }
0x8d: {  	v56 =	vld.idx.msk [tilespmem:v58+s15+$0x0], $0xffff;
	v36 =	vadd.f32 v51, v36  }
0x8e: {  	v31 =	vmul.f32 v32, v31;
	v58 =	vld.idx.msk [tilespmem:v63+s14+$0x0], $0xffff;
	v33 =	vadd.f32 v33, v35  }
0x8f: {  	v46 =	vor.u32 $0x10, v2;
	v61 =	vld.idx.msk [tilespmem:v63+s15+$0x0], $0xffff;
	v60 =	vmul.f32 v62, v49;
	v59 =	vadd.f32 v55, v36  }
0x90: {  	v29 =	vmul.f32 v30, v29;
	v62 =	vor.u32 $0xF, v2;
	v47 =	vld.idx.msk [tilespmem:v57+s14+$0x0], $0xffff;
	v31 =	vadd.f32 v31, v33  }
0x91: {  	v63 =	vld.idx.msk [tilespmem:v53+s14+$0x0], $0xffff;
	v43 =	vmul.f32 v52, v50;
	v42 =	vadd.f32 v60, v59  }
0x92: {  	v27 =	vmul.f32 v28, v27;
	v45 =	vld.idx.msk [tilespmem:v53+s15+$0x0], $0xffff;
	v29 =	vadd.f32 v29, v31  }
0x93: {  	v51 =	vor.u32 $0x11, v2;
	v49 =	vmul.f32 v56, v54;
	v50 =	vld.idx.msk [tilespmem:v57+s15+$0x0], $0xffff;
	v48 =	vadd.f32 v43, v42  }
0x94: {  	v25 =	vmul.f32 v26, v25;
	v57 =	vld.idx.msk [tilespmem:v46+s14+$0x0], $0xffff;
	v27 =	vadd.f32 v27, v29  }
0x95: {  	v56 =	vor.u32 $0x12, v2;
	v54 =	vmul.f32 v61, v58;
	v52 =	vld.idx.msk [tilespmem:v62+s14+$0x0], $0xffff;
	v53 =	vadd.f32 v49, v48  }
0x96: {  	v23 =	vmul.f32 v24, v23;
	v55 =	vld.idx.msk [tilespmem:v62+s15+$0x0], $0xffff;
	v25 =	vadd.f32 v25, v27  }
0x97: {  	v38 =	vor.u32 $0x14, v2;
	v60 =	vld.idx.msk [tilespmem:v46+s15+$0x0], $0xffff;
	v59 =	vmul.f32 v45, v63;
	v58 =	vadd.f32 v54, v53  }
0x98: {  	v21 =	vmul.f32 v22, v21;
	v61 =	vor.u32 $0x13, v2;
	v62 =	vld.idx.msk [tilespmem:v51+s14+$0x0], $0xffff;
	v23 =	vadd.f32 v23, v25  }
0x99: {  	v37 =	vld.idx.msk [tilespmem:v51+s15+$0x0], $0xffff;
	v36 =	vmul.f32 v50, v47;
	v63 =	vadd.f32 v59, v58  }
0x9a: {  	v19 =	vmul.f32 v20, v19;
	v39 =	vld.idx.msk [tilespmem:v56+s14+$0x0], $0xffff;
	v21 =	vadd.f32 v21, v23  }
0x9b: {  	v43 =	vor.u32 $0x15, v2;
	v42 =	vld.idx.msk [tilespmem:v56+s15+$0x0], $0xffff;
	v41 =	vmul.f32 v55, v52;
	v40 =	vadd.f32 v36, v63  }
0x9c: {  	v17 =	vmul.f32 v18, v17;
	v49 =	vld.idx.msk [tilespmem:v38+s14+$0x0], $0xffff;
	v19 =	vadd.f32 v19, v21  }
0x9d: {  	v48 =	vor.u32 $0x16, v2;
	v44 =	vld.idx.msk [tilespmem:v61+s14+$0x0], $0xffff;
	v46 =	vmul.f32 v60, v57;
	v45 =	vadd.f32 v41, v40  }
0x9e: {  	v15 =	vmul.f32 v16, v15;
	v47 =	vld.idx.msk [tilespmem:v61+s15+$0x0], $0xffff;
	v17 =	vadd.f32 v17, v19  }
0x9f: {  	v51 =	vmul.f32 v37, v62;
	v52 =	vld.idx.msk [tilespmem:v38+s15+$0x0], $0xffff;
	v53 =	vor.u32 $0x17, v2;
	v50 =	vadd.f32 v46, v45  }
0xa0: {  	v12 =	vmul.f32 v14, v12;
	v14 =	vld.idx.msk [tilespmem:v43+s14+$0x0], $0xffff;
	v15 =	vadd.f32 v15, v17  }
0xa1: {  	v57 =	vor.u32 $0x18, v2;
	v56 =	vld.idx.msk [tilespmem:v43+s15+$0x0], $0xffff;
	v55 =	vmul.f32 v42, v39;
	v54 =	vadd.f32 v51, v50  }
0xa2: {  	v9 =	vmul.f32 v13, v9;
	v13 =	vld.idx.msk [tilespmem:v48+s14+$0x0], $0xffff;
	v12 =	vadd.f32 v12, v15  }
0xa3: {  	v60 =	vor.u32 $0x19, v2;
	v59 =	vld.idx.msk [tilespmem:v48+s15+$0x0], $0xffff;
	v58 =	vmul.f32 v47, v44;
	v15 =	vadd.f32 v55, v54  }
0xa4: {  	v6 =	vmul.f32 v11, v6;
	v11 =	vld.idx.msk [tilespmem:v53+s14+$0x0], $0xffff;
	v9 =	vadd.f32 v9, v12  }
0xa5: {  	v62 =	vor.u32 $0x1A, v2;
	v61 =	vld.idx.msk [tilespmem:v53+s15+$0x0], $0xffff;
	v12 =	vadd.f32 v58, v15;
	v15 =	vmul.f32 v52, v49  }
0xa6: {  	v4 =	vmul.f32 v10, v4;
	v6 =	vadd.f32 v6, v9;
	v9 =	vld.idx.msk [tilespmem:v57+s14+$0x0], $0xffff  }
0xa7: {  	v10 =	vadd.f32 v15, v12;
	v12 =	vmul.f32 v56, v14;
	v14 =	vld.idx.msk [tilespmem:v57+s15+$0x0], $0xffff  }
0xa8: {  	v3 =	vmul.f32 v7, v3;
	v15 =	vor.u32 $0x1B, v2;
	v4 =	vadd.f32 v4, v6;
	v6 =	vld.idx.msk [tilespmem:v60+s14+$0x0], $0xffff  }
0xa9: {  	v7 =	vadd.f32 v12, v10;
	v10 =	vmul.f32 v59, v13;
	v12 =	vld.idx.msk [tilespmem:v60+s15+$0x0], $0xffff  }
0xaa: {  	v13 =	vor.u32 $0x1C, v2;
	v3 =	vadd.f32 v3, v4;
	v4 =	vadd.f32 v8, v5;
	v8 =	vld.idx.msk [tilespmem:v62+s14+$0x0], $0xffff  }
0xab: {  	v5 =	vadd.f32 v10, v7;
	v10 =	vld.idx.msk [tilespmem:v62+s15+$0x0], $0xffff  }
0xac: {  	v7 =	vmul.f32 v61, v11;
	v11 =	vor.u32 $0x1D, v2  }
0xad: {  	v63 =	vld.idx.msk [tilespmem:v15+s14+$0x0], $0xffff;
	v3 =	vadd.f32 v4, v3  }
0xae: {  	v4 =	vadd.f32 v7, v5;
	v7 =	vmul.f32 v14, v9;
	v9 =	vld.idx.msk [tilespmem:v15+s15+$0x0], $0xffff;
	v14 =	vor.u32 $0x1E, v2  }
0xaf: {  	v5 =	vld.idx.msk [tilespmem:v13+s14+$0x0], $0xffff;
	v6 =	vmul.f32 v12, v6;
	v1 =	vsub.f32 v3, v1  }
0xb0: {  	v4 =	vadd.f32 v7, v4;
	v7 =	vld.idx.msk [tilespmem:v13+s15+$0x0], $0xffff;
	v8 =	vmul.f32 v10, v8;
	v10 =	vor.u32 $0x1F, v2  }
0xb1: {  	s31 =	simm.s32 $0x20;
	v3 =	vld.idx.msk [tilespmem:v11+s14+$0x0], $0xffff  }
0xb2: {  	v2 =	vmov s31;
	v1 =	vmul.f32 v1, v1;
	v13 =	vadd.f32 v6, v4;
	v6 =	vld.idx.msk [tilespmem:v11+s15+$0x0], $0xffff  }
0xb3: {  	v12 =	vimm.f32 $0.0e+00;
	v2 =	vshll.u32 v2, $0x5;
	v4 =	vld.idx.msk [tilespmem:v14+s14+$0x0], $0xffff  }
0xb4: {  	s25 =	simm.s32 $0x30;
	v1 =	vadd.f32 v1, v12;
	v12 =	vadd.f32 v8, v13;
	v13 =	vmul.f32 v9, v63;
	v8 =	vld.idx.msk [tilespmem:v14+s15+$0x0], $0xffff  }
.LBB2_2:
0xb5: {  	p0 =	sne.s32 s25, $0x1F0;
	v2 =	vor.u32 v0, v2;
	v9 =	vld.idx.msk [tilespmem:v10+s14+$0x0], $0xffff  }
0xb6: {  	v5 =	vmul.f32 v7, v5;
	s22 =	sadd.s32 $0x10, s22;
	v11 =	vadd.f32 v13, v12;
	v7 =	vld.idx.msk [tilespmem:v10+s15+$0x0], $0xffff  }
0xb7: {  	s23 =	sadd.s32 $0x10, s23;
	v10 =	vor.u32 $0x1, v2;
	v12 =	vld [tilespmem:s22+$0x0]  }
0xb8: {  	s24 =	sadd.s32 $0x10, s24;
	v3 =	vmul.f32 v6, v3;
	v5 =	vadd.f32 v5, v11;
	v6 =	vld [tilespmem:s23+$0x0]  }
0xb9: {  	v11 =	vor.u32 $0x2, v2;
	v13 =	vld [tilespmem:s24+$0x0]  }
0xba: {  	v4 =	vmul.f32 v8, v4;
	v14 =	vld.idx.msk [tilespmem:v2+s14+$0x0], $0xffff;
	v3 =	vadd.f32 v3, v5  }
0xbb: {  	v8 =	vor.u32 $0x3, v2;
	v5 =	vld.idx.msk [tilespmem:v2+s15+$0x0], $0xffff  }
0xbc: {  	v15 =	vld.idx.msk [tilespmem:v10+s14+$0x0], $0xffff;
	v3 =	vadd.f32 v4, v3;
	v4 =	vmul.f32 v7, v9  }
0xbd: {  	v9 =	vor.u32 $0x4, v2;
	v7 =	vld.idx.msk [tilespmem:v10+s15+$0x0], $0xffff  }
0xbe: {  	v10 =	vld.idx.msk [tilespmem:v11+s14+$0x0], $0xffff;
	v3 =	vadd.f32 v4, v3;
	v4 =	vadd.f32 v13, v6  }
0xbf: {  	v6 =	vld.idx.msk [tilespmem:v11+s15+$0x0], $0xffff;
	v11 =	vor.u32 $0x5, v2  }
0xc0: {  	v13 =	vld.idx.msk [tilespmem:v8+s14+$0x0], $0xffff;
	v3 =	vadd.f32 v4, v3  }
0xc1: {  	v4 =	vmul.f32 v5, v14;
	v5 =	vld.idx.msk [tilespmem:v8+s15+$0x0], $0xffff;
	v8 =	vor.u32 $0x6, v2  }
0xc2: {  	v14 =	vld.idx.msk [tilespmem:v9+s14+$0x0], $0xffff;
	v3 =	vsub.f32 v3, v12  }
0xc3: {  	v4 =	vadd.f32 $0.0e+00, v4;
	v7 =	vmul.f32 v7, v15;
	v12 =	vor.u32 $0x7, v2;
	v9 =	vld.idx.msk [tilespmem:v9+s15+$0x0], $0xffff  }
0xc4: {  	v15 =	vld.idx.msk [tilespmem:v11+s14+$0x0], $0xffff;
	v3 =	vmul.f32 v3, v3  }
0xc5: {  	v4 =	vadd.f32 v7, v4;
	v6 =	vmul.f32 v6, v10;
	v10 =	vor.u32 $0x8, v2;
	v7 =	vld.idx.msk [tilespmem:v11+s15+$0x0], $0xffff  }
0xc6: {  	v11 =	vld.idx.msk [tilespmem:v8+s14+$0x0], $0xffff;
	v1 =	vadd.f32 v3, v1  }
0xc7: {  	v3 =	vadd.f32 v6, v4;
	v4 =	vmul.f32 v5, v13;
	v6 =	vor.u32 $0x9, v2;
	v5 =	vld.idx.msk [tilespmem:v8+s15+$0x0], $0xffff  }
0xc8: {  	v8 =	vld.idx.msk [tilespmem:v12+s14+$0x0], $0xffff  }
0xc9: {  	v3 =	vadd.f32 v4, v3;
	v4 =	vmul.f32 v9, v14;
	v9 =	vld.idx.msk [tilespmem:v12+s15+$0x0], $0xffff;
	v12 =	vor.u32 $0xA, v2  }
0xca: {  	v13 =	vld.idx.msk [tilespmem:v10+s14+$0x0], $0xffff  }
0xcb: {  	v3 =	vadd.f32 v4, v3;
	v4 =	vmul.f32 v7, v15;
	v7 =	vld.idx.msk [tilespmem:v10+s15+$0x0], $0xffff;
	v10 =	vor.u32 $0xB, v2  }
0xcc: {  	v14 =	vld.idx.msk [tilespmem:v6+s14+$0x0], $0xffff  }
0xcd: {  	v3 =	vadd.f32 v4, v3;
	v4 =	vmul.f32 v5, v11;
	v5 =	vld.idx.msk [tilespmem:v6+s15+$0x0], $0xffff;
	v6 =	vor.u32 $0xC, v2  }
0xce: {  	v11 =	vld.idx.msk [tilespmem:v12+s14+$0x0], $0xffff  }
0xcf: {  	v3 =	vadd.f32 v4, v3;
	v4 =	vmul.f32 v9, v8;
	v9 =	vor.u32 $0xD, v2;
	v8 =	vld.idx.msk [tilespmem:v12+s15+$0x0], $0xffff  }
0xd0: {  	v12 =	vld.idx.msk [tilespmem:v10+s14+$0x0], $0xffff  }
0xd1: {  	v3 =	vadd.f32 v4, v3;
	v4 =	vmul.f32 v7, v13;
	v7 =	vld.idx.msk [tilespmem:v10+s15+$0x0], $0xffff;
	v10 =	vor.u32 $0xE, v2  }
0xd2: {  	v13 =	vld.idx.msk [tilespmem:v6+s14+$0x0], $0xffff  }
0xd3: {  	v3 =	vadd.f32 v4, v3;
	v4 =	vmul.f32 v5, v14;
	v5 =	vld.idx.msk [tilespmem:v6+s15+$0x0], $0xffff;
	v6 =	vor.u32 $0xF, v2  }
0xd4: {  	v14 =	vld.idx.msk [tilespmem:v9+s14+$0x0], $0xffff  }
0xd5: {  	v3 =	vadd.f32 v4, v3;
	v4 =	vmul.f32 v8, v11;
	v8 =	vld.idx.msk [tilespmem:v9+s15+$0x0], $0xffff;
	v9 =	vor.u32 $0x10, v2  }
0xd6: {  	v11 =	vld.idx.msk [tilespmem:v10+s14+$0x0], $0xffff  }
0xd7: {  	v3 =	vadd.f32 v4, v3;
	v4 =	vmul.f32 v7, v12;
	v7 =	vld.idx.msk [tilespmem:v10+s15+$0x0], $0xffff;
	v10 =	vor.u32 $0x11, v2  }
0xd8: {  	v12 =	vld.idx.msk [tilespmem:v6+s14+$0x0], $0xffff  }
0xd9: {  	v3 =	vadd.f32 v4, v3;
	v4 =	vmul.f32 v5, v13;
	v5 =	vld.idx.msk [tilespmem:v6+s15+$0x0], $0xffff;
	v6 =	vor.u32 $0x12, v2  }
0xda: {  	v13 =	vld.idx.msk [tilespmem:v9+s14+$0x0], $0xffff  }
0xdb: {  	v3 =	vadd.f32 v4, v3;
	v4 =	vmul.f32 v8, v14;
	v8 =	vld.idx.msk [tilespmem:v9+s15+$0x0], $0xffff;
	v9 =	vor.u32 $0x13, v2  }
0xdc: {  	v14 =	vld.idx.msk [tilespmem:v10+s14+$0x0], $0xffff  }
0xdd: {  	v3 =	vadd.f32 v4, v3;
	v4 =	vmul.f32 v7, v11;
	v7 =	vld.idx.msk [tilespmem:v10+s15+$0x0], $0xffff;
	v10 =	vor.u32 $0x14, v2  }
0xde: {  	v11 =	vld.idx.msk [tilespmem:v6+s14+$0x0], $0xffff  }
0xdf: {  	v3 =	vadd.f32 v4, v3;
	v4 =	vmul.f32 v5, v12;
	v5 =	vld.idx.msk [tilespmem:v6+s15+$0x0], $0xffff;
	v6 =	vor.u32 $0x15, v2  }
0xe0: {  	v12 =	vld.idx.msk [tilespmem:v9+s14+$0x0], $0xffff  }
0xe1: {  	v3 =	vadd.f32 v4, v3;
	v4 =	vmul.f32 v8, v13;
	v8 =	vld.idx.msk [tilespmem:v9+s15+$0x0], $0xffff;
	v9 =	vor.u32 $0x16, v2  }
0xe2: {  	v13 =	vld.idx.msk [tilespmem:v10+s14+$0x0], $0xffff  }
0xe3: {  	v3 =	vadd.f32 v4, v3;
	v4 =	vmul.f32 v7, v14;
	v7 =	vld.idx.msk [tilespmem:v10+s15+$0x0], $0xffff;
	v10 =	vor.u32 $0x17, v2  }
0xe4: {  	v14 =	vld.idx.msk [tilespmem:v6+s14+$0x0], $0xffff  }
0xe5: {  	v3 =	vadd.f32 v4, v3;
	v4 =	vmul.f32 v5, v11;
	v5 =	vld.idx.msk [tilespmem:v6+s15+$0x0], $0xffff;
	v6 =	vor.u32 $0x18, v2  }
0xe6: {  	v11 =	vld.idx.msk [tilespmem:v9+s14+$0x0], $0xffff  }
0xe7: {  	v3 =	vadd.f32 v4, v3;
	v4 =	vmul.f32 v8, v12;
	v8 =	vld.idx.msk [tilespmem:v9+s15+$0x0], $0xffff;
	v9 =	vor.u32 $0x19, v2  }
0xe8: {  	v12 =	vld.idx.msk [tilespmem:v10+s14+$0x0], $0xffff  }
0xe9: {  	v3 =	vadd.f32 v4, v3;
	v4 =	vmul.f32 v7, v13;
	v7 =	vld.idx.msk [tilespmem:v10+s15+$0x0], $0xffff;
	v10 =	vor.u32 $0x1A, v2  }
0xea: {  	v13 =	vld.idx.msk [tilespmem:v6+s14+$0x0], $0xffff  }
0xeb: {  	v3 =	vadd.f32 v4, v3;
	v4 =	vmul.f32 v5, v14;
	v5 =	vld.idx.msk [tilespmem:v6+s15+$0x0], $0xffff;
	v6 =	vor.u32 $0x1B, v2  }
0xec: {  	v14 =	vld.idx.msk [tilespmem:v9+s14+$0x0], $0xffff  }
0xed: {  	v3 =	vadd.f32 v4, v3;
	v4 =	vmul.f32 v8, v11;
	v8 =	vld.idx.msk [tilespmem:v9+s15+$0x0], $0xffff;
	v9 =	vor.u32 $0x1C, v2  }
0xee: {  	v11 =	vld.idx.msk [tilespmem:v10+s14+$0x0], $0xffff  }
0xef: {  	v15 =	vor.u32 $0x1D, v2;
	v3 =	vadd.f32 v4, v3;
	v4 =	vmul.f32 v7, v12;
	v12 =	vld.idx.msk [tilespmem:v10+s15+$0x0], $0xffff  }
0xf0: {  	v16 =	vld.idx.msk [tilespmem:v6+s14+$0x0], $0xffff  }
0xf1: {  	v17 =	vor.u32 $0x1E, v2;
	v3 =	vadd.f32 v4, v3;
	v4 =	vmul.f32 v5, v13;
	v13 =	vld.idx.msk [tilespmem:v6+s15+$0x0], $0xffff  }
0xf2: {  	v5 =	vld.idx.msk [tilespmem:v9+s14+$0x0], $0xffff  }
.Ltmp0:
0xf3: {  	v10 =	vor.u32 $0x1F, v2;
	v4 =	vadd.f32 v4, v3;
	v6 =	vmul.f32 v8, v14;
	v7 =	vld.idx.msk [tilespmem:v9+s15+$0x0], $0xffff;
	(pc) =	sbr.rel @p0 .LBB2_2-.Ltmp0, $4  }
0xf4: {  	v3 =	vld.idx.msk [tilespmem:v15+s14+$0x0], $0xffff  }
0xf5: {  	v8 =	vadd.f32 v6, v4;
	v9 =	vmul.f32 v12, v11;
	v6 =	vld.idx.msk [tilespmem:v15+s15+$0x0], $0xffff  }
0xf6: {  	v2 =	vmov s25;
	v4 =	vld.idx.msk [tilespmem:v17+s14+$0x0], $0xffff  }
0xf7: {  	s25 =	sadd.s32 $0x10, s25;
	v2 =	vshll.u32 v2, $0x5;
	v12 =	vadd.f32 v9, v8;
	v13 =	vmul.f32 v13, v16;
	v8 =	vld.idx.msk [tilespmem:v17+s15+$0x0], $0xffff  }
0xf8: {  	_ =	sdelay $0x2  }
0xf9: {  	v14 =	vor.u32 v0, v2  }
0xfa: {  	v9 =	vld.idx.msk [tilespmem:v10+s14+$0x0], $0xffff  }
0xfb: {  	v11 =	vld.idx.msk [tilespmem:v10+s15+$0x0], $0xffff;
	s25 =	sadd.s32 $0x10, s23;
	v15 =	vor.u32 $0x1, v14  }
0xfc: {  	s30 =	sadd.s32 $0x10, s24;
	v2 =	vld [tilespmem:s25+$0x0]  }
0xfd: {  	v16 =	vor.u32 $0x2, v14;
	v10 =	vld [tilespmem:s30+$0x0]  }
0xfe: {  	v17 =	vld.idx.msk [tilespmem:v14+s14+$0x0], $0xffff  }
0xff: {  	v19 =	vor.u32 $0x3, v14;
	v18 =	vld.idx.msk [tilespmem:v14+s15+$0x0], $0xffff  }
0x100: {  	v20 =	vld.idx.msk [tilespmem:v15+s14+$0x0], $0xffff  }
0x101: {  	v21 =	vor.u32 $0x4, v14;
	v15 =	vld.idx.msk [tilespmem:v15+s15+$0x0], $0xffff  }
0x102: {  	v22 =	vld.idx.msk [tilespmem:v16+s14+$0x0], $0xffff  }
0x103: {  	v23 =	vor.u32 $0x5, v14;
	v16 =	vld.idx.msk [tilespmem:v16+s15+$0x0], $0xffff  }
0x104: {  	v24 =	vld.idx.msk [tilespmem:v19+s14+$0x0], $0xffff;
	v17 =	vmul.f32 v18, v17  }
0x105: {  	v47 =	vor.u32 $0x6, v14;
	v46 =	vld.idx.msk [tilespmem:v19+s15+$0x0], $0xffff  }
0x106: {  	v25 =	vld.idx.msk [tilespmem:v21+s14+$0x0], $0xffff;
	v15 =	vmul.f32 v15, v20;
	v17 =	vadd.f32 $0.0e+00, v17  }
0x107: {  	v49 =	vor.u32 $0x7, v14;
	v48 =	vld.idx.msk [tilespmem:v21+s15+$0x0], $0xffff  }
0x108: {  	v50 =	vld.idx.msk [tilespmem:v23+s14+$0x0], $0xffff;
	v16 =	vmul.f32 v16, v22;
	v15 =	vadd.f32 v15, v17  }
0x109: {  	v52 =	vor.u32 $0x8, v14;
	v51 =	vld.idx.msk [tilespmem:v23+s15+$0x0], $0xffff  }
0x10a: {  	v53 =	vld.idx.msk [tilespmem:v47+s14+$0x0], $0xffff;
	v18 =	vmul.f32 v46, v24;
	v15 =	vadd.f32 v16, v15  }
0x10b: {  	v54 =	vor.u32 $0x9, v14;
	v19 =	vld.idx.msk [tilespmem:v47+s15+$0x0], $0xffff  }
0x10c: {  	v55 =	vld.idx.msk [tilespmem:v49+s14+$0x0], $0xffff;
	v20 =	vmul.f32 v48, v25;
	v15 =	vadd.f32 v18, v15  }
0x10d: {  	v56 =	vor.u32 $0xA, v14;
	v21 =	vld.idx.msk [tilespmem:v49+s15+$0x0], $0xffff  }
0x10e: {  	v57 =	vld.idx.msk [tilespmem:v52+s14+$0x0], $0xffff;
	v17 =	vmul.f32 v51, v50;
	v15 =	vadd.f32 v20, v15  }
0x10f: {  	v59 =	vor.u32 $0xB, v14;
	v58 =	vld.idx.msk [tilespmem:v52+s15+$0x0], $0xffff  }
0x110: {  	v60 =	vld.idx.msk [tilespmem:v54+s14+$0x0], $0xffff;
	v16 =	vmul.f32 v19, v53;
	v15 =	vadd.f32 v17, v15  }
0x111: {  	v62 =	vor.u32 $0xC, v14;
	v61 =	vld.idx.msk [tilespmem:v54+s15+$0x0], $0xffff  }
0x112: {  	v63 =	vld.idx.msk [tilespmem:v56+s14+$0x0], $0xffff;
	v18 =	vmul.f32 v21, v55;
	v15 =	vadd.f32 v16, v15  }
0x113: {  	v29 =	vor.u32 $0xD, v14;
	v28 =	vld.idx.msk [tilespmem:v56+s15+$0x0], $0xffff  }
0x114: {  	v30 =	vld.idx.msk [tilespmem:v59+s14+$0x0], $0xffff;
	v20 =	vmul.f32 v58, v57;
	v15 =	vadd.f32 v18, v15  }
0x115: {  	v32 =	vor.u32 $0xE, v14;
	v31 =	vld.idx.msk [tilespmem:v59+s15+$0x0], $0xffff  }
0x116: {  	v33 =	vld.idx.msk [tilespmem:v62+s14+$0x0], $0xffff;
	v17 =	vmul.f32 v61, v60;
	v15 =	vadd.f32 v20, v15  }
0x117: {  	v35 =	vor.u32 $0xF, v14;
	v34 =	vld.idx.msk [tilespmem:v62+s15+$0x0], $0xffff  }
0x118: {  	v36 =	vld.idx.msk [tilespmem:v29+s14+$0x0], $0xffff;
	v16 =	vmul.f32 v28, v63;
	v15 =	vadd.f32 v17, v15  }
0x119: {  	v38 =	vor.u32 $0x10, v14;
	v37 =	vld.idx.msk [tilespmem:v29+s15+$0x0], $0xffff  }
0x11a: {  	v39 =	vld.idx.msk [tilespmem:v32+s14+$0x0], $0xffff;
	v18 =	vmul.f32 v31, v30;
	v15 =	vadd.f32 v16, v15  }
0x11b: {  	v41 =	vor.u32 $0x11, v14;
	v40 =	vld.idx.msk [tilespmem:v32+s15+$0x0], $0xffff  }
0x11c: {  	v42 =	vld.idx.msk [tilespmem:v35+s14+$0x0], $0xffff;
	v19 =	vmul.f32 v34, v33;
	v15 =	vadd.f32 v18, v15  }
0x11d: {  	v44 =	vor.u32 $0x12, v14;
	v43 =	vld.idx.msk [tilespmem:v35+s15+$0x0], $0xffff  }
0x11e: {  	v45 =	vld.idx.msk [tilespmem:v38+s14+$0x0], $0xffff;
	v17 =	vmul.f32 v37, v36;
	v15 =	vadd.f32 v19, v15  }
0x11f: {  	v47 =	vor.u32 $0x13, v14;
	v46 =	vld.idx.msk [tilespmem:v38+s15+$0x0], $0xffff  }
0x120: {  	v49 =	vld.idx.msk [tilespmem:v41+s15+$0x0], $0xffff;
	v16 =	vmul.f32 v40, v39;
	v15 =	vadd.f32 v17, v15  }
0x121: {  	v48 =	vld.idx.msk [tilespmem:v41+s14+$0x0], $0xffff;
	v50 =	vor.u32 $0x14, v14  }
0x122: {  	v52 =	vld.idx.msk [tilespmem:v44+s15+$0x0], $0xffff;
	v18 =	vmul.f32 v43, v42;
	v15 =	vadd.f32 v16, v15  }
0x123: {  	v51 =	vld.idx.msk [tilespmem:v44+s14+$0x0], $0xffff;
	v53 =	vor.u32 $0x15, v14  }
0x124: {  	v54 =	vld.idx.msk [tilespmem:v47+s14+$0x0], $0xffff;
	v19 =	vmul.f32 v46, v45;
	v15 =	vadd.f32 v18, v15  }
0x125: {  	v56 =	vor.u32 $0x16, v14;
	v55 =	vld.idx.msk [tilespmem:v47+s15+$0x0], $0xffff  }
0x126: {  	v57 =	vld.idx.msk [tilespmem:v50+s14+$0x0], $0xffff;
	v17 =	vmul.f32 v49, v48;
	v15 =	vadd.f32 v19, v15  }
0x127: {  	v59 =	vor.u32 $0x17, v14;
	v58 =	vld.idx.msk [tilespmem:v50+s15+$0x0], $0xffff  }
0x128: {  	v60 =	vld.idx.msk [tilespmem:v53+s14+$0x0], $0xffff;
	v16 =	vmul.f32 v52, v51;
	v15 =	vadd.f32 v17, v15  }
0x129: {  	v62 =	vor.u32 $0x18, v14;
	v61 =	vld.idx.msk [tilespmem:v53+s15+$0x0], $0xffff  }
0x12a: {  	v63 =	vld.idx.msk [tilespmem:v56+s14+$0x0], $0xffff;
	v18 =	vmul.f32 v55, v54;
	v15 =	vadd.f32 v16, v15  }
0x12b: {  	v29 =	vor.u32 $0x19, v14;
	v28 =	vld.idx.msk [tilespmem:v56+s15+$0x0], $0xffff  }
0x12c: {  	v30 =	vld.idx.msk [tilespmem:v59+s14+$0x0], $0xffff;
	v19 =	vmul.f32 v58, v57;
	v15 =	vadd.f32 v18, v15  }
0x12d: {  	v32 =	vor.u32 $0x1A, v14;
	v31 =	vld.idx.msk [tilespmem:v59+s15+$0x0], $0xffff  }
0x12e: {  	v33 =	vld.idx.msk [tilespmem:v62+s14+$0x0], $0xffff;
	v17 =	vmul.f32 v61, v60;
	v15 =	vadd.f32 v19, v15  }
0x12f: {  	v35 =	vor.u32 $0x1B, v14;
	v34 =	vld.idx.msk [tilespmem:v62+s15+$0x0], $0xffff  }
0x130: {  	v36 =	vld.idx.msk [tilespmem:v29+s14+$0x0], $0xffff;
	v16 =	vmul.f32 v28, v63;
	v15 =	vadd.f32 v17, v15  }
0x131: {  	v38 =	vor.u32 $0x1C, v14;
	v37 =	vld.idx.msk [tilespmem:v29+s15+$0x0], $0xffff  }
0x132: {  	v39 =	vld.idx.msk [tilespmem:v32+s14+$0x0], $0xffff;
	v18 =	vmul.f32 v31, v30;
	v15 =	vadd.f32 v16, v15  }
0x133: {  	v41 =	vor.u32 $0x1D, v14;
	v40 =	vld.idx.msk [tilespmem:v32+s15+$0x0], $0xffff  }
0x134: {  	v42 =	vld.idx.msk [tilespmem:v35+s14+$0x0], $0xffff;
	v19 =	vmul.f32 v34, v33;
	v15 =	vadd.f32 v18, v15  }
0x135: {  	v44 =	vor.u32 $0x1E, v14;
	v43 =	vld.idx.msk [tilespmem:v35+s15+$0x0], $0xffff  }
0x136: {  	v45 =	vld.idx.msk [tilespmem:v38+s14+$0x0], $0xffff;
	v17 =	vmul.f32 v37, v36;
	v15 =	vadd.f32 v19, v15  }
0x137: {  	v14 =	vor.u32 $0x1F, v14;
	v46 =	vld.idx.msk [tilespmem:v38+s15+$0x0], $0xffff  }
0x138: {  	v47 =	vld.idx.msk [tilespmem:v41+s14+$0x0], $0xffff;
	v16 =	vmul.f32 v40, v39;
	v15 =	vadd.f32 v17, v15  }
0x139: {  	v5 =	vmul.f32 v7, v5;
	v12 =	vadd.f32 v13, v12;
	v48 =	vld.idx.msk [tilespmem:v41+s15+$0x0], $0xffff  }
0x13a: {  	v50 =	vmul.f32 v43, v42;
	v51 =	vld.idx.msk [tilespmem:v44+s14+$0x0], $0xffff;
	v49 =	vadd.f32 v16, v15  }
0x13b: {  	v3 =	vmul.f32 v6, v3;
	v5 =	vadd.f32 v5, v12;
	v52 =	vld.idx.msk [tilespmem:v44+s15+$0x0], $0xffff  }
0x13c: {  	v56 =	vld.idx.msk [tilespmem:v14+s15+$0x0], $0xffff;
	v54 =	vmul.f32 v46, v45;
	v53 =	vadd.f32 v50, v49  }
0x13d: {  	s31 =	sadd.s32 $0x10, s25;
	v4 =	vmul.f32 v8, v4;
	v3 =	vadd.f32 v3, v5;
	v55 =	vld.idx.msk [tilespmem:v14+s14+$0x0], $0xffff  }
0x13e: {  	s23 =	sadd.s32 $0x10, s30;
	v7 =	vmul.f32 v48, v47;
	v58 =	vld [tilespmem:s31+$0x0];
	v57 =	vadd.f32 v54, v53  }
0x13f: {  	v3 =	vadd.f32 v4, v3;
	v59 =	vmul.f32 v11, v9;
	v60 =	vld [tilespmem:s23+$0x0]  }
0x140: {  	s22 =	sadd.s32 $0x10, s22;
	v6 =	vmul.f32 v52, v51;
	v7 =	vadd.f32 v7, v57  }
0x141: {  	v2 =	vadd.f32 v10, v2;
	v3 =	vadd.f32 v59, v3;
	v61 =	vld [tilespmem:s22+$0x0]  }
0x142: {  	s22 =	sadd.s32 $0x10, s22;
	v5 =	vmul.f32 v56, v55;
	v62 =	vadd.f32 v6, v7  }
0x143: {  	v2 =	vadd.f32 v2, v3;
	v3 =	vld [tilespmem:s22+$0x0]  }
0x144: {  	v63 =	vadd.f32 v60, v58;
	v4 =	vadd.f32 v5, v62;
	_ =	sdelay $0x1  }
0x145: {  	v2 =	vsub.f32 v2, v61;
	v4 =	vadd.f32 v63, v4;
	_ =	sdelay $0x1  }
0x146: {  	v2 =	vmul.f32 v2, v2;
	v3 =	vsub.f32 v4, v3;
	_ =	sdelay $0x1  }
0x147: {  	v1 =	vadd.f32 v2, v1;
	v2 =	vmul.f32 v3, v3;
	_ =	sdelay $0x1  }
0x148: {  	s21 =	sadd.s32 $0x1, s21;
	v1 =	vadd.f32 v2, v1  }
0x149: {  	p0 =	sne.s32 s21, s11  }
.Ltmp1:
0x14a: {  	[tilespmem:$0x8A00] =	vst v1;
	(pc) =	sbr.rel @p0 .LBB2_1-.Ltmp1, $4  }
0x14b: {  	[hbm4b:s10+s4] =	stream.linear.scatter [tilespmem:s20], [sflag:$0x5], $0x10, $0x38;
	[tilespmem:$0x8A10] =	vst v63  }
0x14c: {  	_ =	swait.ge [sflag:s12], $0x10  }
0x14d: {  	[sflag:s12] =	ssyncset.done $0x0  }
0x14e: {  	[sflag:s12] =	ssyncadd.s32 $0xFFFFFFF0  }
0x14f: {  	_ =	sfence.sel $0x180000  }
0x150: {  	[bflag:$0x0] =	sbarrier.arrive $0xFFFF  }
0x151: {  	p0 =	sne.s32 s3, $0x0;
	_ =	strace $0x90000047  }
0x152: {  	s0 =	sadd.s32 @!p0 $0x100000, s0;
	[bflag:$0x2] =	sbarrier.arrive $0xFFFF  }
0x153: {  	[sflag:s0] =	ssyncadd.tile.s32 @!p0 $0x1;
	_ =	shalt  }
.Lfunc_end2:
_tile_overlayer_lowered:
.L_overlay_start_2:
0x154: {  	(tag) =	ssettag $0x2  }
0x155: {  	s0 =	rddreg [dreg:$0x0];
	s2 =	stileid.u32  }
0x156: {  	s1 =	rddreg [dreg:$0x1];
	p0 =	sne.s32 s2, $0x0  }
0x157: {  	s3 =	rddreg [dreg:$0x2];
	[bflag:$0x3] =	sbarrier.arrive $0xFFFF;
	s2 =	simm.s32 @!p0 $0x1C05  }
0x158: {  	[timem:s3], [sflag:s2] =	dma.local @!p0 [hbm:s0], s1  }
0x159: {  	s0 =	simm.s32 @!p0 $0x5  }
0x15a: {  	_ =	swait.ge @!p0 [sflag:s0], s1  }
0x15b: {  	s1 =	ssub.s32 @!p0 $0x0, s1;
	[sflag:s0] =	ssyncset.done @!p0 $0x0  }
0x15c: {  	[sflag:s0] =	ssyncadd.s32 @!p0 s1  }
0x15d: {  	[bflag:$0x3] =	sbarrier.arrive $0xFFFF  }
0x15e: {  	_ =	shalt  }

</sc_bundles>
